<compile_context>
chip_gen: v7x
topology: tpu7x:2x2x1
jax: 0.10.2.dev20260603
libtpu: 0.0.44.dev20260713+nightly
codegen_flags: <defaults>
</compile_context>

<pallas_src>
import functools

import jax
import jax.numpy as jnp
from jax import lax
from jax.experimental import pallas as pl
from jax.experimental.pallas import tpu as pltpu
from jax.experimental.pallas import tpu_sc as plsc

N = 10000
E = 160000
D = 256
R = 8
NT = R + 1
DH = D // 2

NSC = 2
NSS = 16
C = 128
EPT = E // NSS
CHP = -(-EPT // C)
EPTP = CHP * C
APAD = 16
NRT = 632
NRL = N - 15 * NRT
TN = 1000


def _tc_transform_body(relu, x_ref, w_ref, b_ref, o_ref):
    xb = x_ref[...]
    if relu:
        xb = jnp.maximum(xb, 0.0)
    y = jnp.dot(xb.astype(jnp.bfloat16), w_ref[...],
                preferred_element_type=jnp.float32)
    y = y + b_ref[...]
    for d in range(NSC):
        for r in range(NT):
            o_ref[d, r] = y[:, r * D + d * DH:r * D + d * DH + DH]


def _tc_transform(x, wt_bf, bfull, relu):
    return pl.pallas_call(
        functools.partial(_tc_transform_body, relu),
        grid=(N // TN,),
        in_specs=[
            pl.BlockSpec((TN, D), lambda i: (i, 0)),
            pl.BlockSpec((D, NT * D), lambda i: (0, 0)),
            pl.BlockSpec((1, NT * D), lambda i: (0, 0)),
        ],
        out_specs=pl.BlockSpec((NSC, NT, TN, DH), lambda i: (0, 0, i, 0)),
        out_shape=jax.ShapeDtypeStruct((NSC, NT, N, DH), jnp.float32),
    )(x, wt_bf, bfull)


def _sc_agg_body(table, gix_h, dst_h, out, acc, dstb, gixb, rows, sem):
    c = lax.axis_index("c")
    s = lax.axis_index("s")
    r0 = s * NRT

    @pl.when(s < 15)
    def _():
        pltpu.sync_copy(table.at[pl.ds((c * NT + R) * N + r0, NRT)],
                        acc.at[pl.ds(r0, NRT)])

    @pl.when(s == 15)
    def _():
        pltpu.sync_copy(table.at[pl.ds((c * NT + R) * N + r0, NRL)],
                        acc.at[pl.ds(r0, NRL)])
    pltpu.sync_copy(gix_h.at[s], gixb)
    pltpu.sync_copy(dst_h.at[s], dstb)
    base = c * (NT * N)

    def gix_row(i, carry):
        for k in range(C // 16):
            sl = pl.ds(k * 16, 16)
            gixb[i, sl] = gixb[i, sl] + base
        return carry

    lax.fori_loop(0, CHP, gix_row, 0)
    plsc.subcore_barrier()

    def edge_chunk(ch, carry):
        pltpu.async_copy(table.at[gixb.at[ch]], rows, sem).wait()
        pltpu.sync_copy(rows, acc.at[dstb.at[ch]], add=True)
        return carry

    lax.fori_loop(0, CHP, edge_chunk, 0)
    plsc.subcore_barrier()

    @pl.when(jnp.logical_and(c == 0, s < 15))
    def _():
        pltpu.sync_copy(acc.at[pl.ds(r0, NRT)],
                        out.at[pl.ds(r0, NRT), pl.ds(0, DH)])

    @pl.when(jnp.logical_and(c == 0, s == 15))
    def _():
        pltpu.sync_copy(acc.at[pl.ds(r0, NRL)],
                        out.at[pl.ds(r0, NRL), pl.ds(0, DH)])

    @pl.when(jnp.logical_and(c == 1, s < 15))
    def _():
        pltpu.sync_copy(acc.at[pl.ds(r0, NRT)],
                        out.at[pl.ds(r0, NRT), pl.ds(DH, DH)])

    @pl.when(jnp.logical_and(c == 1, s == 15))
    def _():
        pltpu.sync_copy(acc.at[pl.ds(r0, NRL)],
                        out.at[pl.ds(r0, NRL), pl.ds(DH, DH)])


_sc_agg = pl.kernel(
    _sc_agg_body,
    out_type=jax.ShapeDtypeStruct((N, D), jnp.float32),
    mesh=plsc.VectorSubcoreMesh(core_axis_name="c", subcore_axis_name="s"),
    scratch_types=[
        pltpu.VMEM_SHARED((N + APAD, DH), jnp.float32),
        pltpu.VMEM((CHP, C), jnp.int32),
        pltpu.VMEM((CHP, C), jnp.int32),
        pltpu.VMEM((C, DH), jnp.float32),
        pltpu.SemaphoreType.DMA,
    ],
)


def _tile_pad(a, fill):
    a = a.reshape(NSS, EPT)
    a = jnp.pad(a, ((0, 0), (0, EPTP - EPT)), constant_values=fill)
    return a.reshape(NSS, CHP, C)


def kernel(adj, features, edge_type, W1, root1, b1, W2, root2, b2):
    src = adj[0].astype(jnp.int32)
    et = edge_type.astype(jnp.int32)
    gix = _tile_pad(et * N + src, 0)
    dst = _tile_pad(adj[1].astype(jnp.int32), N)
    wt1 = (jnp.concatenate([W1, root1[None]], axis=0)
           .transpose(1, 0, 2).reshape(D, NT * D).astype(jnp.bfloat16))
    wt2 = (jnp.concatenate([W2, root2[None]], axis=0)
           .transpose(1, 0, 2).reshape(D, NT * D).astype(jnp.bfloat16))
    bf1 = jnp.concatenate([jnp.zeros((R * D,), b1.dtype), b1]).reshape(1, NT * D)
    bf2 = jnp.concatenate([jnp.zeros((R * D,), b2.dtype), b2]).reshape(1, NT * D)
    t1 = _tc_transform(features, wt1, bf1, relu=False)
    h = _sc_agg(t1.reshape(NSC * NT * N, DH), gix, dst)
    t2 = _tc_transform(h, wt2, bf2, relu=True)
    return _sc_agg(t2.reshape(NSC * NT * N, DH), gix, dst)

# --- scband reference (transcript-rebuilt; emitter-appended) ---
"""Pipeline reference for scband-rgcn-py-g-19585050870242 (READ-ONLY COPY).

The authoritative reference and input builder live on the scoring server;
editing this copy changes nothing except your own understanding.
"""

import jax, jax.numpy as jnp
import numpy as np

N = 10000
E = 160000
D = 256
R = 8

def setup_inputs(seed: int = 0) -> dict:
    key = jax.random.key(seed)
    ks = jax.random.split(key, 10)
    adj = jax.random.randint(ks[0], (2, E), 0, N, dtype=jnp.int64)
    features = jax.random.normal(ks[1], (N, D), dtype=jnp.float32)
    edge_type = jax.random.randint(ks[2], (E,), 0, R, dtype=jnp.int64)
    # layer1 params (in_dim=256 -> hidden_dim=256)
    W1 = jax.random.normal(ks[3], (R, D, D), dtype=jnp.float32) * (1.0 / np.sqrt(D))
    root1 = jax.random.normal(ks[4], (D, D), dtype=jnp.float32) * (1.0 / np.sqrt(D))
    b1 = jnp.zeros((D,), dtype=jnp.float32)
    # layer2 params (out_dim=256 -> hidden_dim=256)
    W2 = jax.random.normal(ks[5], (R, D, D), dtype=jnp.float32) * (1.0 / np.sqrt(D))
    root2 = jax.random.normal(ks[6], (D, D), dtype=jnp.float32) * (1.0 / np.sqrt(D))
    b2 = jnp.zeros((D,), dtype=jnp.float32)
    return {"adj": adj, "features": features, "edge_type": edge_type,
            "W1": W1, "root1": root1, "b1": b1,
            "W2": W2, "root2": root2, "b2": b2}


def _rgcn_layer(x, adj, edge_type, W, root, bias):
    # FastRGCNConv with aggr='add':
    #   out[i] = sum_{e=(j->i)} W[edge_type[e]] @ x[j] + x[i] @ root + bias
    src = adj[0]
    dst = adj[1]
    num_edges = src.shape[0]
    chunk = 10000
    num_chunks = num_edges // chunk

    def body(c, out):
        s = c * chunk
        src_c = jax.lax.dynamic_slice_in_dim(src, s, chunk)
        dst_c = jax.lax.dynamic_slice_in_dim(dst, s, chunk)
        et_c = jax.lax.dynamic_slice_in_dim(edge_type, s, chunk)
        x_j = jnp.take(x, src_c, axis=0)                 # [chunk, D_in] gather
        w_e = jnp.take(W, et_c, axis=0)                  # [chunk, D_in, D_out] gather (bmm mode)
        msg = jnp.einsum('ei,eio->eo', x_j, w_e)         # per-edge matvec (compute heavy)
        return out.at[dst_c].add(msg)                    # scatter-add

    out = jax.lax.fori_loop(
        0, num_chunks, body,
        jnp.zeros((x.shape[0], W.shape[2]), dtype=x.dtype))
    out = out + x @ root + bias
    return out


def reference(adj, features, edge_type, W1, root1, b1, W2, root2, b2):
    h = _rgcn_layer(features, adj, edge_type, W1, root1, b1)
    h = jax.nn.relu(h)
    out = _rgcn_layer(h, adj, edge_type, W2, root2, b2)
    return out

if __name__ == "__main__":
    import jax
    _d = setup_inputs()
    print(jax.jit(kernel)(*tuple(_d.values())))

</pallas_src>

<mosaic_0001>
#map = affine_map<(d0, d1) -> (0, 0)>
#map1 = affine_map<(d0, d1) -> (0, 0, 0)>
module attributes {stable_mosaic.version = 14 : i64} {
  func.func @_sc_agg_body(%arg0: i32, %arg1: i32, %arg2: memref<180000x128xf32, #tpu.memory_space<hbm>>, %arg3: memref<16x79x128xi32, #tpu.memory_space<hbm>>, %arg4: memref<16x79x128xi32, #tpu.memory_space<hbm>>, %arg5: memref<10000x256xf32, #tpu.memory_space<hbm>>, %arg6: memref<10016x128xf32, #tpu.memory_space<vmem_shared>>, %arg7: memref<79x128xi32, #tpu.memory_space<vmem>>, %arg8: memref<79x128xi32, #tpu.memory_space<vmem>>, %arg9: memref<128x128xf32, #tpu.memory_space<vmem>>, %arg10: memref<!tpu.dma_semaphore, #tpu.memory_space<semaphore_mem>>) attributes {dimension_semantics = [#tpu.dimension_semantics<core_parallel>, #tpu.dimension_semantics<subcore_parallel>], iteration_bounds = array<i64: 2, 16>, scalar_prefetch = 0 : i64, scratch_operands = 5 : i64, tpu.core_type = #tpu.core_type<sc_vector_subcore>, window_params = [{transform_indices = #map}, {transform_indices = #map1}, {transform_indices = #map1}, {transform_indices = #map}]} {
    %mul3A = arith.constant 632 : i32
    %mul3A_0 = arith.muli %arg1, %mul3A : i32
    %lt3A = arith.constant 15 : i32
    %lt3A_1 = arith.cmpi slt, %arg1, %lt3A : i32
    %convert_element_type3A = arith.extui %lt3A_1 : i1 to i32
    %cond3A = arith.constant 0 : i32
    %cond3A_2 = arith.cmpi ne, %convert_element_type3A, %cond3A : i32
    scf.if %cond3A_2 {
      %mul3A_52 = arith.constant 9 : i32
      %mul3A_53 = arith.muli %arg0, %mul3A_52 : i32
      %add3A = arith.constant 8 : i32
      %add3A_54 = arith.addi %mul3A_53, %add3A : i32
      %mul3A_55 = arith.constant 10000 : i32
      %mul3A_56 = arith.muli %add3A_54, %mul3A_55 : i32
      %add3A_57 = arith.addi %mul3A_56, %mul3A_0 : i32
      "tpu.region"() ({
        %run_scoped3A = tpu.sem_alloc : memref<!tpu.dma_semaphore, #tpu.memory_space<semaphore_mem>>
        %dma_start3A = arith.constant 0 : i32
        %dma_start3A_58 = tpu.memref_slice %arg6[%mul3A_0, %dma_start3A] : memref<10016x128xf32, #tpu.memory_space<vmem_shared>> -> memref<632x128xf32, #tpu.memory_space<vmem_shared>>
        %dma_start3A_59 = arith.constant 0 : i32
        %dma_start3A_60 = tpu.memref_slice %arg2[%add3A_57, %dma_start3A_59] : memref<180000x128xf32, #tpu.memory_space<hbm>> -> memref<632x128xf32, #tpu.memory_space<hbm>>
        tpu.enqueue_dma source(%dma_start3A_60 : memref<632x128xf32, #tpu.memory_space<hbm>>) target(%dma_start3A_58 : memref<632x128xf32, #tpu.memory_space<vmem_shared>>) target_semaphore(%run_scoped3A : memref<!tpu.dma_semaphore, #tpu.memory_space<semaphore_mem>>)
        %dma_wait3A = arith.constant 0 : i32
        %dma_wait3A_61 = tpu.memref_slice %arg6[%mul3A_0, %dma_wait3A] : memref<10016x128xf32, #tpu.memory_space<vmem_shared>> -> memref<632x128xf32, #tpu.memory_space<vmem_shared>>
        %dma_wait3A_62 = arith.constant 0 : i32
        %dma_wait3A_63 = tpu.memref_slice %arg2[%add3A_57, %dma_wait3A_62] : memref<180000x128xf32, #tpu.memory_space<hbm>> -> memref<632x128xf32, #tpu.memory_space<hbm>>
        tpu.wait_dma2 semaphore(%run_scoped3A : memref<!tpu.dma_semaphore, #tpu.memory_space<semaphore_mem>>) src(%dma_wait3A_63 : memref<632x128xf32, #tpu.memory_space<hbm>>) dst(%dma_wait3A_61 : memref<632x128xf32, #tpu.memory_space<vmem_shared>>)
        tpu.yield
      }) : () -> ()
    } else {
    }
    %eq3A = arith.constant 15 : i32
    %eq3A_3 = arith.cmpi eq, %arg1, %eq3A : i32
    %convert_element_type3A_4 = arith.extui %eq3A_3 : i1 to i32
    %cond3A_5 = arith.constant 0 : i32
    %cond3A_6 = arith.cmpi ne, %convert_element_type3A_4, %cond3A_5 : i32
    scf.if %cond3A_6 {
      %mul3A_52 = arith.constant 9 : i32
      %mul3A_53 = arith.muli %arg0, %mul3A_52 : i32
      %add3A = arith.constant 8 : i32
      %add3A_54 = arith.addi %mul3A_53, %add3A : i32
      %mul3A_55 = arith.constant 10000 : i32
      %mul3A_56 = arith.muli %add3A_54, %mul3A_55 : i32
      %add3A_57 = arith.addi %mul3A_56, %mul3A_0 : i32
      "tpu.region"() ({
        %run_scoped3A = tpu.sem_alloc : memref<!tpu.dma_semaphore, #tpu.memory_space<semaphore_mem>>
        %dma_start3A = arith.constant 0 : i32
        %dma_start3A_58 = tpu.memref_slice %arg6[%mul3A_0, %dma_start3A] : memref<10016x128xf32, #tpu.memory_space<vmem_shared>> -> memref<520x128xf32, #tpu.memory_space<vmem_shared>>
        %dma_start3A_59 = arith.constant 0 : i32
        %dma_start3A_60 = tpu.memref_slice %arg2[%add3A_57, %dma_start3A_59] : memref<180000x128xf32, #tpu.memory_space<hbm>> -> memref<520x128xf32, #tpu.memory_space<hbm>>
        tpu.enqueue_dma source(%dma_start3A_60 : memref<520x128xf32, #tpu.memory_space<hbm>>) target(%dma_start3A_58 : memref<520x128xf32, #tpu.memory_space<vmem_shared>>) target_semaphore(%run_scoped3A : memref<!tpu.dma_semaphore, #tpu.memory_space<semaphore_mem>>)
        %dma_wait3A = arith.constant 0 : i32
        %dma_wait3A_61 = tpu.memref_slice %arg6[%mul3A_0, %dma_wait3A] : memref<10016x128xf32, #tpu.memory_space<vmem_shared>> -> memref<520x128xf32, #tpu.memory_space<vmem_shared>>
        %dma_wait3A_62 = arith.constant 0 : i32
        %dma_wait3A_63 = tpu.memref_slice %arg2[%add3A_57, %dma_wait3A_62] : memref<180000x128xf32, #tpu.memory_space<hbm>> -> memref<520x128xf32, #tpu.memory_space<hbm>>
        tpu.wait_dma2 semaphore(%run_scoped3A : memref<!tpu.dma_semaphore, #tpu.memory_space<semaphore_mem>>) src(%dma_wait3A_63 : memref<520x128xf32, #tpu.memory_space<hbm>>) dst(%dma_wait3A_61 : memref<520x128xf32, #tpu.memory_space<vmem_shared>>)
        tpu.yield
      }) : () -> ()
    } else {
    }
    "tpu.region"() ({
      %run_scoped3A = tpu.sem_alloc : memref<!tpu.dma_semaphore, #tpu.memory_space<semaphore_mem>>
      %dma_start3A = arith.constant 0 : i32
      %dma_start3A_52 = arith.constant 0 : i32
      %dma_start3A_53 = tpu.memref_slice %arg3[%arg1, %dma_start3A, %dma_start3A_52] : memref<16x79x128xi32, #tpu.memory_space<hbm>> -> memref<1x79x128xi32, #tpu.memory_space<hbm>>
      %dma_start3A_54 = tpu.memref_squeeze %dma_start3A_53 : memref<1x79x128xi32, #tpu.memory_space<hbm>> -> memref<79x128xi32, #tpu.memory_space<hbm>>
      %dma_start3A_55 = arith.constant 0 : i32
      %dma_start3A_56 = arith.constant 0 : i32
      %dma_start3A_57 = tpu.memref_slice %arg3[%arg1, %dma_start3A_55, %dma_start3A_56] : memref<16x79x128xi32, #tpu.memory_space<hbm>> -> memref<1x79x128xi32, #tpu.memory_space<hbm>>
      %dma_start3A_58 = tpu.memref_squeeze %dma_start3A_57 : memref<1x79x128xi32, #tpu.memory_space<hbm>> -> memref<79x128xi32, #tpu.memory_space<hbm>>
      tpu.enqueue_dma source(%dma_start3A_58 : memref<79x128xi32, #tpu.memory_space<hbm>>) target(%arg8 : memref<79x128xi32, #tpu.memory_space<vmem>>) target_semaphore(%run_scoped3A : memref<!tpu.dma_semaphore, #tpu.memory_space<semaphore_mem>>)
      %dma_wait3A = arith.constant 0 : i32
      %dma_wait3A_59 = arith.constant 0 : i32
      %dma_wait3A_60 = tpu.memref_slice %arg3[%arg1, %dma_wait3A, %dma_wait3A_59] : memref<16x79x128xi32, #tpu.memory_space<hbm>> -> memref<1x79x128xi32, #tpu.memory_space<hbm>>
      %dma_wait3A_61 = tpu.memref_squeeze %dma_wait3A_60 : memref<1x79x128xi32, #tpu.memory_space<hbm>> -> memref<79x128xi32, #tpu.memory_space<hbm>>
      %dma_wait3A_62 = arith.constant 0 : i32
      %dma_wait3A_63 = arith.constant 0 : i32
      %dma_wait3A_64 = tpu.memref_slice %arg3[%arg1, %dma_wait3A_62, %dma_wait3A_63] : memref<16x79x128xi32, #tpu.memory_space<hbm>> -> memref<1x79x128xi32, #tpu.memory_space<hbm>>
      %dma_wait3A_65 = tpu.memref_squeeze %dma_wait3A_64 : memref<1x79x128xi32, #tpu.memory_space<hbm>> -> memref<79x128xi32, #tpu.memory_space<hbm>>
      tpu.wait_dma2 semaphore(%run_scoped3A : memref<!tpu.dma_semaphore, #tpu.memory_space<semaphore_mem>>) src(%dma_wait3A_65 : memref<79x128xi32, #tpu.memory_space<hbm>>) dst(%arg8 : memref<79x128xi32, #tpu.memory_space<vmem>>)
      tpu.yield
    }) : () -> ()
    "tpu.region"() ({
      %run_scoped3A = tpu.sem_alloc : memref<!tpu.dma_semaphore, #tpu.memory_space<semaphore_mem>>
      %dma_start3A = arith.constant 0 : i32
      %dma_start3A_52 = arith.constant 0 : i32
      %dma_start3A_53 = tpu.memref_slice %arg4[%arg1, %dma_start3A, %dma_start3A_52] : memref<16x79x128xi32, #tpu.memory_space<hbm>> -> memref<1x79x128xi32, #tpu.memory_space<hbm>>
      %dma_start3A_54 = tpu.memref_squeeze %dma_start3A_53 : memref<1x79x128xi32, #tpu.memory_space<hbm>> -> memref<79x128xi32, #tpu.memory_space<hbm>>
      %dma_start3A_55 = arith.constant 0 : i32
      %dma_start3A_56 = arith.constant 0 : i32
      %dma_start3A_57 = tpu.memref_slice %arg4[%arg1, %dma_start3A_55, %dma_start3A_56] : memref<16x79x128xi32, #tpu.memory_space<hbm>> -> memref<1x79x128xi32, #tpu.memory_space<hbm>>
      %dma_start3A_58 = tpu.memref_squeeze %dma_start3A_57 : memref<1x79x128xi32, #tpu.memory_space<hbm>> -> memref<79x128xi32, #tpu.memory_space<hbm>>
      tpu.enqueue_dma source(%dma_start3A_58 : memref<79x128xi32, #tpu.memory_space<hbm>>) target(%arg7 : memref<79x128xi32, #tpu.memory_space<vmem>>) target_semaphore(%run_scoped3A : memref<!tpu.dma_semaphore, #tpu.memory_space<semaphore_mem>>)
      %dma_wait3A = arith.constant 0 : i32
      %dma_wait3A_59 = arith.constant 0 : i32
      %dma_wait3A_60 = tpu.memref_slice %arg4[%arg1, %dma_wait3A, %dma_wait3A_59] : memref<16x79x128xi32, #tpu.memory_space<hbm>> -> memref<1x79x128xi32, #tpu.memory_space<hbm>>
      %dma_wait3A_61 = tpu.memref_squeeze %dma_wait3A_60 : memref<1x79x128xi32, #tpu.memory_space<hbm>> -> memref<79x128xi32, #tpu.memory_space<hbm>>
      %dma_wait3A_62 = arith.constant 0 : i32
      %dma_wait3A_63 = arith.constant 0 : i32
      %dma_wait3A_64 = tpu.memref_slice %arg4[%arg1, %dma_wait3A_62, %dma_wait3A_63] : memref<16x79x128xi32, #tpu.memory_space<hbm>> -> memref<1x79x128xi32, #tpu.memory_space<hbm>>
      %dma_wait3A_65 = tpu.memref_squeeze %dma_wait3A_64 : memref<1x79x128xi32, #tpu.memory_space<hbm>> -> memref<79x128xi32, #tpu.memory_space<hbm>>
      tpu.wait_dma2 semaphore(%run_scoped3A : memref<!tpu.dma_semaphore, #tpu.memory_space<semaphore_mem>>) src(%dma_wait3A_65 : memref<79x128xi32, #tpu.memory_space<hbm>>) dst(%arg7 : memref<79x128xi32, #tpu.memory_space<vmem>>)
      tpu.yield
    }) : () -> ()
    %mul3A_7 = arith.constant 90000 : i32
    %mul3A_8 = arith.muli %arg0, %mul3A_7 : i32
    %scan3A = arith.constant 0 : i32
    %scan3A_9 = arith.constant 0 : i32
    %scan3A_10 = arith.constant 79 : i32
    %scan3A_11 = arith.addi %scan3A_9, %scan3A_10 : i32
    %scan3A_12 = arith.constant 1 : i32
    scf.for %scan3A_52 = %scan3A_9 to %scan3A_11 step %scan3A_12  : i32 {
      %get3A = arith.index_cast %scan3A_52 : i32 to index
      %get3A_53 = arith.constant 0 : index
      %get3A_54 = tpu.vector_load %arg8[%get3A, %get3A_53] {strides = array<i32>} : memref<79x128xi32, #tpu.memory_space<vmem>>, vector<1x16xi32>,
      %get3A_55 = vector.shape_cast %get3A_54 : vector<1x16xi32> to vector<16xi32>
      %add3A = vector.broadcast %mul3A_8 : i32 to vector<16xi32>
      %add3A_56 = arith.addi %get3A_55, %add3A : vector<16xi32>
      %swap3A = arith.index_cast %scan3A_52 : i32 to index
      %swap3A_57 = arith.constant 0 : index
      %swap3A_58 = tpu.vector_load %arg8[%swap3A, %swap3A_57] {strides = array<i32>} : memref<79x128xi32, #tpu.memory_space<vmem>>, vector<1x16xi32>,
      %swap3A_59 = vector.shape_cast %swap3A_58 : vector<1x16xi32> to vector<16xi32>
      %swap3A_60 = vector.shape_cast %add3A_56 : vector<16xi32> to vector<1x16xi32>
      tpu.vector_store %arg8[%swap3A, %swap3A_57], %swap3A_60 {strides = array<i32>} : memref<79x128xi32, #tpu.memory_space<vmem>>, vector<1x16xi32>,
      %get3A_61 = arith.index_cast %scan3A_52 : i32 to index
      %get3A_62 = arith.constant 16 : index
      %get3A_63 = tpu.vector_load %arg8[%get3A_61, %get3A_62] {strides = array<i32>} : memref<79x128xi32, #tpu.memory_space<vmem>>, vector<1x16xi32>,
      %get3A_64 = vector.shape_cast %get3A_63 : vector<1x16xi32> to vector<16xi32>
      %add3A_65 = vector.broadcast %mul3A_8 : i32 to vector<16xi32>
      %add3A_66 = arith.addi %get3A_64, %add3A_65 : vector<16xi32>
      %swap3A_67 = arith.index_cast %scan3A_52 : i32 to index
      %swap3A_68 = arith.constant 16 : index
      %swap3A_69 = tpu.vector_load %arg8[%swap3A_67, %swap3A_68] {strides = array<i32>} : memref<79x128xi32, #tpu.memory_space<vmem>>, vector<1x16xi32>,
      %swap3A_70 = vector.shape_cast %swap3A_69 : vector<1x16xi32> to vector<16xi32>
      %swap3A_71 = vector.shape_cast %add3A_66 : vector<16xi32> to vector<1x16xi32>
      tpu.vector_store %arg8[%swap3A_67, %swap3A_68], %swap3A_71 {strides = array<i32>} : memref<79x128xi32, #tpu.memory_space<vmem>>, vector<1x16xi32>,
      %get3A_72 = arith.index_cast %scan3A_52 : i32 to index
      %get3A_73 = arith.constant 32 : index
      %get3A_74 = tpu.vector_load %arg8[%get3A_72, %get3A_73] {strides = array<i32>} : memref<79x128xi32, #tpu.memory_space<vmem>>, vector<1x16xi32>,
      %get3A_75 = vector.shape_cast %get3A_74 : vector<1x16xi32> to vector<16xi32>
      %add3A_76 = vector.broadcast %mul3A_8 : i32 to vector<16xi32>
      %add3A_77 = arith.addi %get3A_75, %add3A_76 : vector<16xi32>
      %swap3A_78 = arith.index_cast %scan3A_52 : i32 to index
      %swap3A_79 = arith.constant 32 : index
      %swap3A_80 = tpu.vector_load %arg8[%swap3A_78, %swap3A_79] {strides = array<i32>} : memref<79x128xi32, #tpu.memory_space<vmem>>, vector<1x16xi32>,
      %swap3A_81 = vector.shape_cast %swap3A_80 : vector<1x16xi32> to vector<16xi32>
      %swap3A_82 = vector.shape_cast %add3A_77 : vector<16xi32> to vector<1x16xi32>
      tpu.vector_store %arg8[%swap3A_78, %swap3A_79], %swap3A_82 {strides = array<i32>} : memref<79x128xi32, #tpu.memory_space<vmem>>, vector<1x16xi32>,
      %get3A_83 = arith.index_cast %scan3A_52 : i32 to index
      %get3A_84 = arith.constant 48 : index
      %get3A_85 = tpu.vector_load %arg8[%get3A_83, %get3A_84] {strides = array<i32>} : memref<79x128xi32, #tpu.memory_space<vmem>>, vector<1x16xi32>,
      %get3A_86 = vector.shape_cast %get3A_85 : vector<1x16xi32> to vector<16xi32>
      %add3A_87 = vector.broadcast %mul3A_8 : i32 to vector<16xi32>
      %add3A_88 = arith.addi %get3A_86, %add3A_87 : vector<16xi32>
      %swap3A_89 = arith.index_cast %scan3A_52 : i32 to index
      %swap3A_90 = arith.constant 48 : index
      %swap3A_91 = tpu.vector_load %arg8[%swap3A_89, %swap3A_90] {strides = array<i32>} : memref<79x128xi32, #tpu.memory_space<vmem>>, vector<1x16xi32>,
      %swap3A_92 = vector.shape_cast %swap3A_91 : vector<1x16xi32> to vector<16xi32>
      %swap3A_93 = vector.shape_cast %add3A_88 : vector<16xi32> to vector<1x16xi32>
      tpu.vector_store %arg8[%swap3A_89, %swap3A_90], %swap3A_93 {strides = array<i32>} : memref<79x128xi32, #tpu.memory_space<vmem>>, vector<1x16xi32>,
      %get3A_94 = arith.index_cast %scan3A_52 : i32 to index
      %get3A_95 = arith.constant 64 : index
      %get3A_96 = tpu.vector_load %arg8[%get3A_94, %get3A_95] {strides = array<i32>} : memref<79x128xi32, #tpu.memory_space<vmem>>, vector<1x16xi32>,
      %get3A_97 = vector.shape_cast %get3A_96 : vector<1x16xi32> to vector<16xi32>
      %add3A_98 = vector.broadcast %mul3A_8 : i32 to vector<16xi32>
      %add3A_99 = arith.addi %get3A_97, %add3A_98 : vector<16xi32>
      %swap3A_100 = arith.index_cast %scan3A_52 : i32 to index
      %swap3A_101 = arith.constant 64 : index
      %swap3A_102 = tpu.vector_load %arg8[%swap3A_100, %swap3A_101] {strides = array<i32>} : memref<79x128xi32, #tpu.memory_space<vmem>>, vector<1x16xi32>,
      %swap3A_103 = vector.shape_cast %swap3A_102 : vector<1x16xi32> to vector<16xi32>
      %swap3A_104 = vector.shape_cast %add3A_99 : vector<16xi32> to vector<1x16xi32>
      tpu.vector_store %arg8[%swap3A_100, %swap3A_101], %swap3A_104 {strides = array<i32>} : memref<79x128xi32, #tpu.memory_space<vmem>>, vector<1x16xi32>,
      %get3A_105 = arith.index_cast %scan3A_52 : i32 to index
      %get3A_106 = arith.constant 80 : index
      %get3A_107 = tpu.vector_load %arg8[%get3A_105, %get3A_106] {strides = array<i32>} : memref<79x128xi32, #tpu.memory_space<vmem>>, vector<1x16xi32>,
      %get3A_108 = vector.shape_cast %get3A_107 : vector<1x16xi32> to vector<16xi32>
      %add3A_109 = vector.broadcast %mul3A_8 : i32 to vector<16xi32>
      %add3A_110 = arith.addi %get3A_108, %add3A_109 : vector<16xi32>
      %swap3A_111 = arith.index_cast %scan3A_52 : i32 to index
      %swap3A_112 = arith.constant 80 : index
      %swap3A_113 = tpu.vector_load %arg8[%swap3A_111, %swap3A_112] {strides = array<i32>} : memref<79x128xi32, #tpu.memory_space<vmem>>, vector<1x16xi32>,
      %swap3A_114 = vector.shape_cast %swap3A_113 : vector<1x16xi32> to vector<16xi32>
      %swap3A_115 = vector.shape_cast %add3A_110 : vector<16xi32> to vector<1x16xi32>
      tpu.vector_store %arg8[%swap3A_111, %swap3A_112], %swap3A_115 {strides = array<i32>} : memref<79x128xi32, #tpu.memory_space<vmem>>, vector<1x16xi32>,
      %get3A_116 = arith.index_cast %scan3A_52 : i32 to index
      %get3A_117 = arith.constant 96 : index
      %get3A_118 = tpu.vector_load %arg8[%get3A_116, %get3A_117] {strides = array<i32>} : memref<79x128xi32, #tpu.memory_space<vmem>>, vector<1x16xi32>,
      %get3A_119 = vector.shape_cast %get3A_118 : vector<1x16xi32> to vector<16xi32>
      %add3A_120 = vector.broadcast %mul3A_8 : i32 to vector<16xi32>
      %add3A_121 = arith.addi %get3A_119, %add3A_120 : vector<16xi32>
      %swap3A_122 = arith.index_cast %scan3A_52 : i32 to index
      %swap3A_123 = arith.constant 96 : index
      %swap3A_124 = tpu.vector_load %arg8[%swap3A_122, %swap3A_123] {strides = array<i32>} : memref<79x128xi32, #tpu.memory_space<vmem>>, vector<1x16xi32>,
      %swap3A_125 = vector.shape_cast %swap3A_124 : vector<1x16xi32> to vector<16xi32>
      %swap3A_126 = vector.shape_cast %add3A_121 : vector<16xi32> to vector<1x16xi32>
      tpu.vector_store %arg8[%swap3A_122, %swap3A_123], %swap3A_126 {strides = array<i32>} : memref<79x128xi32, #tpu.memory_space<vmem>>, vector<1x16xi32>,
      %get3A_127 = arith.index_cast %scan3A_52 : i32 to index
      %get3A_128 = arith.constant 112 : index
      %get3A_129 = tpu.vector_load %arg8[%get3A_127, %get3A_128] {strides = array<i32>} : memref<79x128xi32, #tpu.memory_space<vmem>>, vector<1x16xi32>,
      %get3A_130 = vector.shape_cast %get3A_129 : vector<1x16xi32> to vector<16xi32>
      %add3A_131 = vector.broadcast %mul3A_8 : i32 to vector<16xi32>
      %add3A_132 = arith.addi %get3A_130, %add3A_131 : vector<16xi32>
      %swap3A_133 = arith.index_cast %scan3A_52 : i32 to index
      %swap3A_134 = arith.constant 112 : index
      %swap3A_135 = tpu.vector_load %arg8[%swap3A_133, %swap3A_134] {strides = array<i32>} : memref<79x128xi32, #tpu.memory_space<vmem>>, vector<1x16xi32>,
      %swap3A_136 = vector.shape_cast %swap3A_135 : vector<1x16xi32> to vector<16xi32>
      %swap3A_137 = vector.shape_cast %add3A_132 : vector<16xi32> to vector<1x16xi32>
      tpu.vector_store %arg8[%swap3A_133, %swap3A_134], %swap3A_137 {strides = array<i32>} : memref<79x128xi32, #tpu.memory_space<vmem>>, vector<1x16xi32>,
    }
    %scan3A_13 = arith.constant 79 : i32
    %barrier3A = arith.constant 0 : index
    tpu.barrier barrier_id(%barrier3A)
    %scan3A_14 = arith.constant 0 : i32
    %scan3A_15 = arith.constant 0 : i32
    %scan3A_16 = arith.constant 79 : i32
    %scan3A_17 = arith.addi %scan3A_15, %scan3A_16 : i32
    %scan3A_18 = arith.constant 1 : i32
    scf.for %scan3A_52 = %scan3A_15 to %scan3A_17 step %scan3A_18  : i32 {
      %dma_start3A = arith.constant 0 : i32
      %dma_start3A_53 = tpu.memref_slice %arg8[%scan3A_52, %dma_start3A] : memref<79x128xi32, #tpu.memory_space<vmem>> -> memref<1x128xi32, #tpu.memory_space<vmem>>
      %dma_start3A_54 = tpu.memref_squeeze %dma_start3A_53 : memref<1x128xi32, #tpu.memory_space<vmem>> -> memref<128xi32, #tpu.memory_space<vmem>>
      %dma_start3A_55 = arith.constant 0 : i32
      %dma_start3A_56 = arith.constant 0 : i32
      %dma_start3A_57 = tpu.memref_slice %arg2[%dma_start3A_55, %dma_start3A_56] : memref<180000x128xf32, #tpu.memory_space<hbm>> -> memref<180000x128xf32, #tpu.memory_space<hbm>>
      tpu.enqueue_indirect_dma source(%dma_start3A_57 : memref<180000x128xf32, #tpu.memory_space<hbm>>) target(%arg9 : memref<128x128xf32, #tpu.memory_space<vmem>>) offsets(%dma_start3A_54 : memref<128xi32, #tpu.memory_space<vmem>>) semaphore(%arg10 : memref<!tpu.dma_semaphore, #tpu.memory_space<semaphore_mem>>)
      %dma_wait3A = arith.constant 0 : i32
      %dma_wait3A_58 = tpu.memref_slice %arg8[%scan3A_52, %dma_wait3A] : memref<79x128xi32, #tpu.memory_space<vmem>> -> memref<1x128xi32, #tpu.memory_space<vmem>>
      %dma_wait3A_59 = tpu.memref_squeeze %dma_wait3A_58 : memref<1x128xi32, #tpu.memory_space<vmem>> -> memref<128xi32, #tpu.memory_space<vmem>>
      %dma_wait3A_60 = arith.constant 0 : i32
      %dma_wait3A_61 = arith.constant 0 : i32
      %dma_wait3A_62 = tpu.memref_slice %arg2[%dma_wait3A_60, %dma_wait3A_61] : memref<180000x128xf32, #tpu.memory_space<hbm>> -> memref<180000x128xf32, #tpu.memory_space<hbm>>
      tpu.wait_indirect_dma semaphore(%arg10 : memref<!tpu.dma_semaphore, #tpu.memory_space<semaphore_mem>>) src(%dma_wait3A_62 : memref<180000x128xf32, #tpu.memory_space<hbm>>) dst(%arg9 : memref<128x128xf32, #tpu.memory_space<vmem>>)
      "tpu.region"() ({
        %run_scoped3A = tpu.sem_alloc : memref<!tpu.dma_semaphore, #tpu.memory_space<semaphore_mem>>
        %dma_start3A_63 = arith.constant 0 : i32
        %dma_start3A_64 = tpu.memref_slice %arg7[%scan3A_52, %dma_start3A_63] : memref<79x128xi32, #tpu.memory_space<vmem>> -> memref<1x128xi32, #tpu.memory_space<vmem>>
        %dma_start3A_65 = tpu.memref_squeeze %dma_start3A_64 : memref<1x128xi32, #tpu.memory_space<vmem>> -> memref<128xi32, #tpu.memory_space<vmem>>
        %dma_start3A_66 = arith.constant 0 : i32
        %dma_start3A_67 = arith.constant 0 : i32
        %dma_start3A_68 = tpu.memref_slice %arg6[%dma_start3A_66, %dma_start3A_67] : memref<10016x128xf32, #tpu.memory_space<vmem_shared>> -> memref<10016x128xf32, #tpu.memory_space<vmem_shared>>
        tpu.enqueue_indirect_dma source(%arg9 : memref<128x128xf32, #tpu.memory_space<vmem>>) target(%dma_start3A_68 : memref<10016x128xf32, #tpu.memory_space<vmem_shared>>) offsets(%dma_start3A_65 : memref<128xi32, #tpu.memory_space<vmem>>) semaphore(%run_scoped3A : memref<!tpu.dma_semaphore, #tpu.memory_space<semaphore_mem>>) {add = true}
        %dma_wait3A_69 = arith.constant 0 : i32
        %dma_wait3A_70 = tpu.memref_slice %arg7[%scan3A_52, %dma_wait3A_69] : memref<79x128xi32, #tpu.memory_space<vmem>> -> memref<1x128xi32, #tpu.memory_space<vmem>>
        %dma_wait3A_71 = tpu.memref_squeeze %dma_wait3A_70 : memref<1x128xi32, #tpu.memory_space<vmem>> -> memref<128xi32, #tpu.memory_space<vmem>>
        %dma_wait3A_72 = arith.constant 0 : i32
        %dma_wait3A_73 = arith.constant 0 : i32
        %dma_wait3A_74 = tpu.memref_slice %arg6[%dma_wait3A_72, %dma_wait3A_73] : memref<10016x128xf32, #tpu.memory_space<vmem_shared>> -> memref<10016x128xf32, #tpu.memory_space<vmem_shared>>
        tpu.wait_indirect_dma semaphore(%run_scoped3A : memref<!tpu.dma_semaphore, #tpu.memory_space<semaphore_mem>>) src(%arg9 : memref<128x128xf32, #tpu.memory_space<vmem>>) dst(%dma_wait3A_74 : memref<10016x128xf32, #tpu.memory_space<vmem_shared>>)
        tpu.yield
      }) : () -> ()
    }
    %scan3A_19 = arith.constant 79 : i32
    %barrier3A_20 = arith.constant 0 : index
    tpu.barrier barrier_id(%barrier3A_20)
    %eq3A_21 = arith.constant 0 : i32
    %eq3A_22 = arith.cmpi eq, %arg0, %eq3A_21 : i32
    %lt3A_23 = arith.constant 15 : i32
    %lt3A_24 = arith.cmpi slt, %arg1, %lt3A_23 : i32
    %and3A = arith.andi %eq3A_22, %lt3A_24 : i1
    %convert_element_type3A_25 = arith.extui %and3A : i1 to i32
    %cond3A_26 = arith.constant 0 : i32
    %cond3A_27 = arith.cmpi ne, %convert_element_type3A_25, %cond3A_26 : i32
    scf.if %cond3A_27 {
      "tpu.region"() ({
        %run_scoped3A = tpu.sem_alloc : memref<!tpu.dma_semaphore, #tpu.memory_space<semaphore_mem>>
        %dma_start3A = arith.constant 0 : i32
        %dma_start3A_52 = tpu.memref_slice %arg5[%mul3A_0, %dma_start3A] : memref<10000x256xf32, #tpu.memory_space<hbm>> -> memref<632x128xf32, #tpu.memory_space<hbm>>
        %dma_start3A_53 = arith.constant 0 : i32
        %dma_start3A_54 = tpu.memref_slice %arg6[%mul3A_0, %dma_start3A_53] : memref<10016x128xf32, #tpu.memory_space<vmem_shared>> -> memref<632x128xf32, #tpu.memory_space<vmem_shared>>
        tpu.enqueue_dma source(%dma_start3A_54 : memref<632x128xf32, #tpu.memory_space<vmem_shared>>) target(%dma_start3A_52 : memref<632x128xf32, #tpu.memory_space<hbm>>) target_semaphore(%run_scoped3A : memref<!tpu.dma_semaphore, #tpu.memory_space<semaphore_mem>>)
        %dma_wait3A = arith.constant 0 : i32
        %dma_wait3A_55 = tpu.memref_slice %arg5[%mul3A_0, %dma_wait3A] : memref<10000x256xf32, #tpu.memory_space<hbm>> -> memref<632x128xf32, #tpu.memory_space<hbm>>
        %dma_wait3A_56 = arith.constant 0 : i32
        %dma_wait3A_57 = tpu.memref_slice %arg6[%mul3A_0, %dma_wait3A_56] : memref<10016x128xf32, #tpu.memory_space<vmem_shared>> -> memref<632x128xf32, #tpu.memory_space<vmem_shared>>
        tpu.wait_dma2 semaphore(%run_scoped3A : memref<!tpu.dma_semaphore, #tpu.memory_space<semaphore_mem>>) src(%dma_wait3A_57 : memref<632x128xf32, #tpu.memory_space<vmem_shared>>) dst(%dma_wait3A_55 : memref<632x128xf32, #tpu.memory_space<hbm>>)
        tpu.yield
      }) : () -> ()
    } else {
    }
    %eq3A_28 = arith.constant 0 : i32
    %eq3A_29 = arith.cmpi eq, %arg0, %eq3A_28 : i32
    %eq3A_30 = arith.constant 15 : i32
    %eq3A_31 = arith.cmpi eq, %arg1, %eq3A_30 : i32
    %and3A_32 = arith.andi %eq3A_29, %eq3A_31 : i1
    %convert_element_type3A_33 = arith.extui %and3A_32 : i1 to i32
    %cond3A_34 = arith.constant 0 : i32
    %cond3A_35 = arith.cmpi ne, %convert_element_type3A_33, %cond3A_34 : i32
    scf.if %cond3A_35 {
      "tpu.region"() ({
        %run_scoped3A = tpu.sem_alloc : memref<!tpu.dma_semaphore, #tpu.memory_space<semaphore_mem>>
        %dma_start3A = arith.constant 0 : i32
        %dma_start3A_52 = tpu.memref_slice %arg5[%mul3A_0, %dma_start3A] : memref<10000x256xf32, #tpu.memory_space<hbm>> -> memref<520x128xf32, #tpu.memory_space<hbm>>
        %dma_start3A_53 = arith.constant 0 : i32
        %dma_start3A_54 = tpu.memref_slice %arg6[%mul3A_0, %dma_start3A_53] : memref<10016x128xf32, #tpu.memory_space<vmem_shared>> -> memref<520x128xf32, #tpu.memory_space<vmem_shared>>
        tpu.enqueue_dma source(%dma_start3A_54 : memref<520x128xf32, #tpu.memory_space<vmem_shared>>) target(%dma_start3A_52 : memref<520x128xf32, #tpu.memory_space<hbm>>) target_semaphore(%run_scoped3A : memref<!tpu.dma_semaphore, #tpu.memory_space<semaphore_mem>>)
        %dma_wait3A = arith.constant 0 : i32
        %dma_wait3A_55 = tpu.memref_slice %arg5[%mul3A_0, %dma_wait3A] : memref<10000x256xf32, #tpu.memory_space<hbm>> -> memref<520x128xf32, #tpu.memory_space<hbm>>
        %dma_wait3A_56 = arith.constant 0 : i32
        %dma_wait3A_57 = tpu.memref_slice %arg6[%mul3A_0, %dma_wait3A_56] : memref<10016x128xf32, #tpu.memory_space<vmem_shared>> -> memref<520x128xf32, #tpu.memory_space<vmem_shared>>
        tpu.wait_dma2 semaphore(%run_scoped3A : memref<!tpu.dma_semaphore, #tpu.memory_space<semaphore_mem>>) src(%dma_wait3A_57 : memref<520x128xf32, #tpu.memory_space<vmem_shared>>) dst(%dma_wait3A_55 : memref<520x128xf32, #tpu.memory_space<hbm>>)
        tpu.yield
      }) : () -> ()
    } else {
    }
    %eq3A_36 = arith.constant 1 : i32
    %eq3A_37 = arith.cmpi eq, %arg0, %eq3A_36 : i32
    %lt3A_38 = arith.constant 15 : i32
    %lt3A_39 = arith.cmpi slt, %arg1, %lt3A_38 : i32
    %and3A_40 = arith.andi %eq3A_37, %lt3A_39 : i1
    %convert_element_type3A_41 = arith.extui %and3A_40 : i1 to i32
    %cond3A_42 = arith.constant 0 : i32
    %cond3A_43 = arith.cmpi ne, %convert_element_type3A_41, %cond3A_42 : i32
    scf.if %cond3A_43 {
      "tpu.region"() ({
        %run_scoped3A = tpu.sem_alloc : memref<!tpu.dma_semaphore, #tpu.memory_space<semaphore_mem>>
        %dma_start3A = arith.constant 128 : i32
        %dma_start3A_52 = tpu.memref_slice %arg5[%mul3A_0, %dma_start3A] : memref<10000x256xf32, #tpu.memory_space<hbm>> -> memref<632x128xf32, #tpu.memory_space<hbm>>
        %dma_start3A_53 = arith.constant 0 : i32
        %dma_start3A_54 = tpu.memref_slice %arg6[%mul3A_0, %dma_start3A_53] : memref<10016x128xf32, #tpu.memory_space<vmem_shared>> -> memref<632x128xf32, #tpu.memory_space<vmem_shared>>
        tpu.enqueue_dma source(%dma_start3A_54 : memref<632x128xf32, #tpu.memory_space<vmem_shared>>) target(%dma_start3A_52 : memref<632x128xf32, #tpu.memory_space<hbm>>) target_semaphore(%run_scoped3A : memref<!tpu.dma_semaphore, #tpu.memory_space<semaphore_mem>>)
        %dma_wait3A = arith.constant 128 : i32
        %dma_wait3A_55 = tpu.memref_slice %arg5[%mul3A_0, %dma_wait3A] : memref<10000x256xf32, #tpu.memory_space<hbm>> -> memref<632x128xf32, #tpu.memory_space<hbm>>
        %dma_wait3A_56 = arith.constant 0 : i32
        %dma_wait3A_57 = tpu.memref_slice %arg6[%mul3A_0, %dma_wait3A_56] : memref<10016x128xf32, #tpu.memory_space<vmem_shared>> -> memref<632x128xf32, #tpu.memory_space<vmem_shared>>
        tpu.wait_dma2 semaphore(%run_scoped3A : memref<!tpu.dma_semaphore, #tpu.memory_space<semaphore_mem>>) src(%dma_wait3A_57 : memref<632x128xf32, #tpu.memory_space<vmem_shared>>) dst(%dma_wait3A_55 : memref<632x128xf32, #tpu.memory_space<hbm>>)
        tpu.yield
      }) : () -> ()
    } else {
    }
    %eq3A_44 = arith.constant 1 : i32
    %eq3A_45 = arith.cmpi eq, %arg0, %eq3A_44 : i32
    %eq3A_46 = arith.constant 15 : i32
    %eq3A_47 = arith.cmpi eq, %arg1, %eq3A_46 : i32
    %and3A_48 = arith.andi %eq3A_45, %eq3A_47 : i1
    %convert_element_type3A_49 = arith.extui %and3A_48 : i1 to i32
    %cond3A_50 = arith.constant 0 : i32
    %cond3A_51 = arith.cmpi ne, %convert_element_type3A_49, %cond3A_50 : i32
    scf.if %cond3A_51 {
      "tpu.region"() ({
        %run_scoped3A = tpu.sem_alloc : memref<!tpu.dma_semaphore, #tpu.memory_space<semaphore_mem>>
        %dma_start3A = arith.constant 128 : i32
        %dma_start3A_52 = tpu.memref_slice %arg5[%mul3A_0, %dma_start3A] : memref<10000x256xf32, #tpu.memory_space<hbm>> -> memref<520x128xf32, #tpu.memory_space<hbm>>
        %dma_start3A_53 = arith.constant 0 : i32
        %dma_start3A_54 = tpu.memref_slice %arg6[%mul3A_0, %dma_start3A_53] : memref<10016x128xf32, #tpu.memory_space<vmem_shared>> -> memref<520x128xf32, #tpu.memory_space<vmem_shared>>
        tpu.enqueue_dma source(%dma_start3A_54 : memref<520x128xf32, #tpu.memory_space<vmem_shared>>) target(%dma_start3A_52 : memref<520x128xf32, #tpu.memory_space<hbm>>) target_semaphore(%run_scoped3A : memref<!tpu.dma_semaphore, #tpu.memory_space<semaphore_mem>>)
        %dma_wait3A = arith.constant 128 : i32
        %dma_wait3A_55 = tpu.memref_slice %arg5[%mul3A_0, %dma_wait3A] : memref<10000x256xf32, #tpu.memory_space<hbm>> -> memref<520x128xf32, #tpu.memory_space<hbm>>
        %dma_wait3A_56 = arith.constant 0 : i32
        %dma_wait3A_57 = tpu.memref_slice %arg6[%mul3A_0, %dma_wait3A_56] : memref<10016x128xf32, #tpu.memory_space<vmem_shared>> -> memref<520x128xf32, #tpu.memory_space<vmem_shared>>
        tpu.wait_dma2 semaphore(%run_scoped3A : memref<!tpu.dma_semaphore, #tpu.memory_space<semaphore_mem>>) src(%dma_wait3A_57 : memref<520x128xf32, #tpu.memory_space<vmem_shared>>) dst(%dma_wait3A_55 : memref<520x128xf32, #tpu.memory_space<hbm>>)
        tpu.yield
      }) : () -> ()
    } else {
    }
    return
  }
}

#map = affine_map<(d0, d1) -> (0, 0)>
#map1 = affine_map<(d0, d1) -> (0, 0, 0)>
module attributes {stable_mosaic.version = 14 : i64} {
  func.func @_sc_agg_body(%arg0: i32, %arg1: i32, %arg2: memref<180000x128xf32, #tpu.memory_space<hbm>>, %arg3: memref<16x79x128xi32, #tpu.memory_space<hbm>>, %arg4: memref<16x79x128xi32, #tpu.memory_space<hbm>>, %arg5: memref<10000x256xf32, #tpu.memory_space<hbm>>, %arg6: memref<10016x128xf32, #tpu.memory_space<vmem_shared>>, %arg7: memref<79x128xi32, #tpu.memory_space<vmem>>, %arg8: memref<79x128xi32, #tpu.memory_space<vmem>>, %arg9: memref<128x128xf32, #tpu.memory_space<vmem>>, %arg10: memref<!tpu.dma_semaphore, #tpu.memory_space<semaphore_mem>>) attributes {dimension_semantics = [#tpu.dimension_semantics<core_parallel>, #tpu.dimension_semantics<subcore_parallel>], iteration_bounds = array<i64: 2, 16>, scalar_prefetch = 0 : i64, scratch_operands = 5 : i64, tpu.core_type = #tpu.core_type<sc_vector_subcore>, window_params = [{transform_indices = #map}, {transform_indices = #map1}, {transform_indices = #map1}, {transform_indices = #map}]} {
    %mul3A = arith.constant 632 : i32
    %mul3A_0 = arith.muli %arg1, %mul3A : i32
    %lt3A = arith.constant 15 : i32
    %lt3A_1 = arith.cmpi slt, %arg1, %lt3A : i32
    %convert_element_type3A = arith.extui %lt3A_1 : i1 to i32
    %cond3A = arith.constant 0 : i32
    %cond3A_2 = arith.cmpi ne, %convert_element_type3A, %cond3A : i32
    scf.if %cond3A_2 {
      %mul3A_52 = arith.constant 9 : i32
      %mul3A_53 = arith.muli %arg0, %mul3A_52 : i32
      %add3A = arith.constant 8 : i32
      %add3A_54 = arith.addi %mul3A_53, %add3A : i32
      %mul3A_55 = arith.constant 10000 : i32
      %mul3A_56 = arith.muli %add3A_54, %mul3A_55 : i32
      %add3A_57 = arith.addi %mul3A_56, %mul3A_0 : i32
      "tpu.region"() ({
        %run_scoped3A = tpu.sem_alloc : memref<!tpu.dma_semaphore, #tpu.memory_space<semaphore_mem>>
        %dma_start3A = arith.constant 0 : i32
        %dma_start3A_58 = tpu.memref_slice %arg6[%mul3A_0, %dma_start3A] : memref<10016x128xf32, #tpu.memory_space<vmem_shared>> -> memref<632x128xf32, #tpu.memory_space<vmem_shared>>
        %dma_start3A_59 = arith.constant 0 : i32
        %dma_start3A_60 = tpu.memref_slice %arg2[%add3A_57, %dma_start3A_59] : memref<180000x128xf32, #tpu.memory_space<hbm>> -> memref<632x128xf32, #tpu.memory_space<hbm>>
        tpu.enqueue_dma source(%dma_start3A_60 : memref<632x128xf32, #tpu.memory_space<hbm>>) target(%dma_start3A_58 : memref<632x128xf32, #tpu.memory_space<vmem_shared>>) target_semaphore(%run_scoped3A : memref<!tpu.dma_semaphore, #tpu.memory_space<semaphore_mem>>)
        %dma_wait3A = arith.constant 0 : i32
        %dma_wait3A_61 = tpu.memref_slice %arg6[%mul3A_0, %dma_wait3A] : memref<10016x128xf32, #tpu.memory_space<vmem_shared>> -> memref<632x128xf32, #tpu.memory_space<vmem_shared>>
        %dma_wait3A_62 = arith.constant 0 : i32
        %dma_wait3A_63 = tpu.memref_slice %arg2[%add3A_57, %dma_wait3A_62] : memref<180000x128xf32, #tpu.memory_space<hbm>> -> memref<632x128xf32, #tpu.memory_space<hbm>>
        tpu.wait_dma2 semaphore(%run_scoped3A : memref<!tpu.dma_semaphore, #tpu.memory_space<semaphore_mem>>) src(%dma_wait3A_63 : memref<632x128xf32, #tpu.memory_space<hbm>>) dst(%dma_wait3A_61 : memref<632x128xf32, #tpu.memory_space<vmem_shared>>)
        tpu.yield
      }) : () -> ()
    } else {
    }
    %eq3A = arith.constant 15 : i32
    %eq3A_3 = arith.cmpi eq, %arg1, %eq3A : i32
    %convert_element_type3A_4 = arith.extui %eq3A_3 : i1 to i32
    %cond3A_5 = arith.constant 0 : i32
    %cond3A_6 = arith.cmpi ne, %convert_element_type3A_4, %cond3A_5 : i32
    scf.if %cond3A_6 {
      %mul3A_52 = arith.constant 9 : i32
      %mul3A_53 = arith.muli %arg0, %mul3A_52 : i32
      %add3A = arith.constant 8 : i32
      %add3A_54 = arith.addi %mul3A_53, %add3A : i32
      %mul3A_55 = arith.constant 10000 : i32
      %mul3A_56 = arith.muli %add3A_54, %mul3A_55 : i32
      %add3A_57 = arith.addi %mul3A_56, %mul3A_0 : i32
      "tpu.region"() ({
        %run_scoped3A = tpu.sem_alloc : memref<!tpu.dma_semaphore, #tpu.memory_space<semaphore_mem>>
        %dma_start3A = arith.constant 0 : i32
        %dma_start3A_58 = tpu.memref_slice %arg6[%mul3A_0, %dma_start3A] : memref<10016x128xf32, #tpu.memory_space<vmem_shared>> -> memref<520x128xf32, #tpu.memory_space<vmem_shared>>
        %dma_start3A_59 = arith.constant 0 : i32
        %dma_start3A_60 = tpu.memref_slice %arg2[%add3A_57, %dma_start3A_59] : memref<180000x128xf32, #tpu.memory_space<hbm>> -> memref<520x128xf32, #tpu.memory_space<hbm>>
        tpu.enqueue_dma source(%dma_start3A_60 : memref<520x128xf32, #tpu.memory_space<hbm>>) target(%dma_start3A_58 : memref<520x128xf32, #tpu.memory_space<vmem_shared>>) target_semaphore(%run_scoped3A : memref<!tpu.dma_semaphore, #tpu.memory_space<semaphore_mem>>)
        %dma_wait3A = arith.constant 0 : i32
        %dma_wait3A_61 = tpu.memref_slice %arg6[%mul3A_0, %dma_wait3A] : memref<10016x128xf32, #tpu.memory_space<vmem_shared>> -> memref<520x128xf32, #tpu.memory_space<vmem_shared>>
        %dma_wait3A_62 = arith.constant 0 : i32
        %dma_wait3A_63 = tpu.memref_slice %arg2[%add3A_57, %dma_wait3A_62] : memref<180000x128xf32, #tpu.memory_space<hbm>> -> memref<520x128xf32, #tpu.memory_space<hbm>>
        tpu.wait_dma2 semaphore(%run_scoped3A : memref<!tpu.dma_semaphore, #tpu.memory_space<semaphore_mem>>) src(%dma_wait3A_63 : memref<520x128xf32, #tpu.memory_space<hbm>>) dst(%dma_wait3A_61 : memref<520x128xf32, #tpu.memory_space<vmem_shared>>)
        tpu.yield
      }) : () -> ()
    } else {
    }
    "tpu.region"() ({
      %run_scoped3A = tpu.sem_alloc : memref<!tpu.dma_semaphore, #tpu.memory_space<semaphore_mem>>
      %dma_start3A = arith.constant 0 : i32
      %dma_start3A_52 = arith.constant 0 : i32
      %dma_start3A_53 = tpu.memref_slice %arg3[%arg1, %dma_start3A, %dma_start3A_52] : memref<16x79x128xi32, #tpu.memory_space<hbm>> -> memref<1x79x128xi32, #tpu.memory_space<hbm>>
      %dma_start3A_54 = tpu.memref_squeeze %dma_start3A_53 : memref<1x79x128xi32, #tpu.memory_space<hbm>> -> memref<79x128xi32, #tpu.memory_space<hbm>>
      %dma_start3A_55 = arith.constant 0 : i32
      %dma_start3A_56 = arith.constant 0 : i32
      %dma_start3A_57 = tpu.memref_slice %arg3[%arg1, %dma_start3A_55, %dma_start3A_56] : memref<16x79x128xi32, #tpu.memory_space<hbm>> -> memref<1x79x128xi32, #tpu.memory_space<hbm>>
      %dma_start3A_58 = tpu.memref_squeeze %dma_start3A_57 : memref<1x79x128xi32, #tpu.memory_space<hbm>> -> memref<79x128xi32, #tpu.memory_space<hbm>>
      tpu.enqueue_dma source(%dma_start3A_58 : memref<79x128xi32, #tpu.memory_space<hbm>>) target(%arg8 : memref<79x128xi32, #tpu.memory_space<vmem>>) target_semaphore(%run_scoped3A : memref<!tpu.dma_semaphore, #tpu.memory_space<semaphore_mem>>)
      %dma_wait3A = arith.constant 0 : i32
      %dma_wait3A_59 = arith.constant 0 : i32
      %dma_wait3A_60 = tpu.memref_slice %arg3[%arg1, %dma_wait3A, %dma_wait3A_59] : memref<16x79x128xi32, #tpu.memory_space<hbm>> -> memref<1x79x128xi32, #tpu.memory_space<hbm>>
      %dma_wait3A_61 = tpu.memref_squeeze %dma_wait3A_60 : memref<1x79x128xi32, #tpu.memory_space<hbm>> -> memref<79x128xi32, #tpu.memory_space<hbm>>
      %dma_wait3A_62 = arith.constant 0 : i32
      %dma_wait3A_63 = arith.constant 0 : i32
      %dma_wait3A_64 = tpu.memref_slice %arg3[%arg1, %dma_wait3A_62, %dma_wait3A_63] : memref<16x79x128xi32, #tpu.memory_space<hbm>> -> memref<1x79x128xi32, #tpu.memory_space<hbm>>
      %dma_wait3A_65 = tpu.memref_squeeze %dma_wait3A_64 : memref<1x79x128xi32, #tpu.memory_space<hbm>> -> memref<79x128xi32, #tpu.memory_space<hbm>>
      tpu.wait_dma2 semaphore(%run_scoped3A : memref<!tpu.dma_semaphore, #tpu.memory_space<semaphore_mem>>) src(%dma_wait3A_65 : memref<79x128xi32, #tpu.memory_space<hbm>>) dst(%arg8 : memref<79x128xi32, #tpu.memory_space<vmem>>)
      tpu.yield
    }) : () -> ()
    "tpu.region"() ({
      %run_scoped3A = tpu.sem_alloc : memref<!tpu.dma_semaphore, #tpu.memory_space<semaphore_mem>>
      %dma_start3A = arith.constant 0 : i32
      %dma_start3A_52 = arith.constant 0 : i32
      %dma_start3A_53 = tpu.memref_slice %arg4[%arg1, %dma_start3A, %dma_start3A_52] : memref<16x79x128xi32, #tpu.memory_space<hbm>> -> memref<1x79x128xi32, #tpu.memory_space<hbm>>
      %dma_start3A_54 = tpu.memref_squeeze %dma_start3A_53 : memref<1x79x128xi32, #tpu.memory_space<hbm>> -> memref<79x128xi32, #tpu.memory_space<hbm>>
      %dma_start3A_55 = arith.constant 0 : i32
      %dma_start3A_56 = arith.constant 0 : i32
      %dma_start3A_57 = tpu.memref_slice %arg4[%arg1, %dma_start3A_55, %dma_start3A_56] : memref<16x79x128xi32, #tpu.memory_space<hbm>> -> memref<1x79x128xi32, #tpu.memory_space<hbm>>
      %dma_start3A_58 = tpu.memref_squeeze %dma_start3A_57 : memref<1x79x128xi32, #tpu.memory_space<hbm>> -> memref<79x128xi32, #tpu.memory_space<hbm>>
      tpu.enqueue_dma source(%dma_start3A_58 : memref<79x128xi32, #tpu.memory_space<hbm>>) target(%arg7 : memref<79x128xi32, #tpu.memory_space<vmem>>) target_semaphore(%run_scoped3A : memref<!tpu.dma_semaphore, #tpu.memory_space<semaphore_mem>>)
      %dma_wait3A = arith.constant 0 : i32
      %dma_wait3A_59 = arith.constant 0 : i32
      %dma_wait3A_60 = tpu.memref_slice %arg4[%arg1, %dma_wait3A, %dma_wait3A_59] : memref<16x79x128xi32, #tpu.memory_space<hbm>> -> memref<1x79x128xi32, #tpu.memory_space<hbm>>
      %dma_wait3A_61 = tpu.memref_squeeze %dma_wait3A_60 : memref<1x79x128xi32, #tpu.memory_space<hbm>> -> memref<79x128xi32, #tpu.memory_space<hbm>>
      %dma_wait3A_62 = arith.constant 0 : i32
      %dma_wait3A_63 = arith.constant 0 : i32
      %dma_wait3A_64 = tpu.memref_slice %arg4[%arg1, %dma_wait3A_62, %dma_wait3A_63] : memref<16x79x128xi32, #tpu.memory_space<hbm>> -> memref<1x79x128xi32, #tpu.memory_space<hbm>>
      %dma_wait3A_65 = tpu.memref_squeeze %dma_wait3A_64 : memref<1x79x128xi32, #tpu.memory_space<hbm>> -> memref<79x128xi32, #tpu.memory_space<hbm>>
      tpu.wait_dma2 semaphore(%run_scoped3A : memref<!tpu.dma_semaphore, #tpu.memory_space<semaphore_mem>>) src(%dma_wait3A_65 : memref<79x128xi32, #tpu.memory_space<hbm>>) dst(%arg7 : memref<79x128xi32, #tpu.memory_space<vmem>>)
      tpu.yield
    }) : () -> ()
    %mul3A_7 = arith.constant 90000 : i32
    %mul3A_8 = arith.muli %arg0, %mul3A_7 : i32
    %scan3A = arith.constant 0 : i32
    %scan3A_9 = arith.constant 0 : i32
    %scan3A_10 = arith.constant 79 : i32
    %scan3A_11 = arith.addi %scan3A_9, %scan3A_10 : i32
    %scan3A_12 = arith.constant 1 : i32
    scf.for %scan3A_52 = %scan3A_9 to %scan3A_11 step %scan3A_12  : i32 {
      %get3A = arith.index_cast %scan3A_52 : i32 to index
      %get3A_53 = arith.constant 0 : index
      %get3A_54 = tpu.vector_load %arg8[%get3A, %get3A_53] {strides = array<i32>} : memref<79x128xi32, #tpu.memory_space<vmem>>, vector<1x16xi32>,
      %get3A_55 = vector.shape_cast %get3A_54 : vector<1x16xi32> to vector<16xi32>
      %add3A = vector.broadcast %mul3A_8 : i32 to vector<16xi32>
      %add3A_56 = arith.addi %get3A_55, %add3A : vector<16xi32>
      %swap3A = arith.index_cast %scan3A_52 : i32 to index
      %swap3A_57 = arith.constant 0 : index
      %swap3A_58 = tpu.vector_load %arg8[%swap3A, %swap3A_57] {strides = array<i32>} : memref<79x128xi32, #tpu.memory_space<vmem>>, vector<1x16xi32>,
      %swap3A_59 = vector.shape_cast %swap3A_58 : vector<1x16xi32> to vector<16xi32>
      %swap3A_60 = vector.shape_cast %add3A_56 : vector<16xi32> to vector<1x16xi32>
      tpu.vector_store %arg8[%swap3A, %swap3A_57], %swap3A_60 {strides = array<i32>} : memref<79x128xi32, #tpu.memory_space<vmem>>, vector<1x16xi32>,
      %get3A_61 = arith.index_cast %scan3A_52 : i32 to index
      %get3A_62 = arith.constant 16 : index
      %get3A_63 = tpu.vector_load %arg8[%get3A_61, %get3A_62] {strides = array<i32>} : memref<79x128xi32, #tpu.memory_space<vmem>>, vector<1x16xi32>,
      %get3A_64 = vector.shape_cast %get3A_63 : vector<1x16xi32> to vector<16xi32>
      %add3A_65 = vector.broadcast %mul3A_8 : i32 to vector<16xi32>
      %add3A_66 = arith.addi %get3A_64, %add3A_65 : vector<16xi32>
      %swap3A_67 = arith.index_cast %scan3A_52 : i32 to index
      %swap3A_68 = arith.constant 16 : index
      %swap3A_69 = tpu.vector_load %arg8[%swap3A_67, %swap3A_68] {strides = array<i32>} : memref<79x128xi32, #tpu.memory_space<vmem>>, vector<1x16xi32>,
      %swap3A_70 = vector.shape_cast %swap3A_69 : vector<1x16xi32> to vector<16xi32>
      %swap3A_71 = vector.shape_cast %add3A_66 : vector<16xi32> to vector<1x16xi32>
      tpu.vector_store %arg8[%swap3A_67, %swap3A_68], %swap3A_71 {strides = array<i32>} : memref<79x128xi32, #tpu.memory_space<vmem>>, vector<1x16xi32>,
      %get3A_72 = arith.index_cast %scan3A_52 : i32 to index
      %get3A_73 = arith.constant 32 : index
      %get3A_74 = tpu.vector_load %arg8[%get3A_72, %get3A_73] {strides = array<i32>} : memref<79x128xi32, #tpu.memory_space<vmem>>, vector<1x16xi32>,
      %get3A_75 = vector.shape_cast %get3A_74 : vector<1x16xi32> to vector<16xi32>
      %add3A_76 = vector.broadcast %mul3A_8 : i32 to vector<16xi32>
      %add3A_77 = arith.addi %get3A_75, %add3A_76 : vector<16xi32>
      %swap3A_78 = arith.index_cast %scan3A_52 : i32 to index
      %swap3A_79 = arith.constant 32 : index
      %swap3A_80 = tpu.vector_load %arg8[%swap3A_78, %swap3A_79] {strides = array<i32>} : memref<79x128xi32, #tpu.memory_space<vmem>>, vector<1x16xi32>,
      %swap3A_81 = vector.shape_cast %swap3A_80 : vector<1x16xi32> to vector<16xi32>
      %swap3A_82 = vector.shape_cast %add3A_77 : vector<16xi32> to vector<1x16xi32>
      tpu.vector_store %arg8[%swap3A_78, %swap3A_79], %swap3A_82 {strides = array<i32>} : memref<79x128xi32, #tpu.memory_space<vmem>>, vector<1x16xi32>,
      %get3A_83 = arith.index_cast %scan3A_52 : i32 to index
      %get3A_84 = arith.constant 48 : index
      %get3A_85 = tpu.vector_load %arg8[%get3A_83, %get3A_84] {strides = array<i32>} : memref<79x128xi32, #tpu.memory_space<vmem>>, vector<1x16xi32>,
      %get3A_86 = vector.shape_cast %get3A_85 : vector<1x16xi32> to vector<16xi32>
      %add3A_87 = vector.broadcast %mul3A_8 : i32 to vector<16xi32>
      %add3A_88 = arith.addi %get3A_86, %add3A_87 : vector<16xi32>
      %swap3A_89 = arith.index_cast %scan3A_52 : i32 to index
      %swap3A_90 = arith.constant 48 : index
      %swap3A_91 = tpu.vector_load %arg8[%swap3A_89, %swap3A_90] {strides = array<i32>} : memref<79x128xi32, #tpu.memory_space<vmem>>, vector<1x16xi32>,
      %swap3A_92 = vector.shape_cast %swap3A_91 : vector<1x16xi32> to vector<16xi32>
      %swap3A_93 = vector.shape_cast %add3A_88 : vector<16xi32> to vector<1x16xi32>
      tpu.vector_store %arg8[%swap3A_89, %swap3A_90], %swap3A_93 {strides = array<i32>} : memref<79x128xi32, #tpu.memory_space<vmem>>, vector<1x16xi32>,
      %get3A_94 = arith.index_cast %scan3A_52 : i32 to index
      %get3A_95 = arith.constant 64 : index
      %get3A_96 = tpu.vector_load %arg8[%get3A_94, %get3A_95] {strides = array<i32>} : memref<79x128xi32, #tpu.memory_space<vmem>>, vector<1x16xi32>,
      %get3A_97 = vector.shape_cast %get3A_96 : vector<1x16xi32> to vector<16xi32>
      %add3A_98 = vector.broadcast %mul3A_8 : i32 to vector<16xi32>
      %add3A_99 = arith.addi %get3A_97, %add3A_98 : vector<16xi32>
      %swap3A_100 = arith.index_cast %scan3A_52 : i32 to index
      %swap3A_101 = arith.constant 64 : index
      %swap3A_102 = tpu.vector_load %arg8[%swap3A_100, %swap3A_101] {strides = array<i32>} : memref<79x128xi32, #tpu.memory_space<vmem>>, vector<1x16xi32>,
      %swap3A_103 = vector.shape_cast %swap3A_102 : vector<1x16xi32> to vector<16xi32>
      %swap3A_104 = vector.shape_cast %add3A_99 : vector<16xi32> to vector<1x16xi32>
      tpu.vector_store %arg8[%swap3A_100, %swap3A_101], %swap3A_104 {strides = array<i32>} : memref<79x128xi32, #tpu.memory_space<vmem>>, vector<1x16xi32>,
      %get3A_105 = arith.index_cast %scan3A_52 : i32 to index
      %get3A_106 = arith.constant 80 : index
      %get3A_107 = tpu.vector_load %arg8[%get3A_105, %get3A_106] {strides = array<i32>} : memref<79x128xi32, #tpu.memory_space<vmem>>, vector<1x16xi32>,
      %get3A_108 = vector.shape_cast %get3A_107 : vector<1x16xi32> to vector<16xi32>
      %add3A_109 = vector.broadcast %mul3A_8 : i32 to vector<16xi32>
      %add3A_110 = arith.addi %get3A_108, %add3A_109 : vector<16xi32>
      %swap3A_111 = arith.index_cast %scan3A_52 : i32 to index
      %swap3A_112 = arith.constant 80 : index
      %swap3A_113 = tpu.vector_load %arg8[%swap3A_111, %swap3A_112] {strides = array<i32>} : memref<79x128xi32, #tpu.memory_space<vmem>>, vector<1x16xi32>,
      %swap3A_114 = vector.shape_cast %swap3A_113 : vector<1x16xi32> to vector<16xi32>
      %swap3A_115 = vector.shape_cast %add3A_110 : vector<16xi32> to vector<1x16xi32>
      tpu.vector_store %arg8[%swap3A_111, %swap3A_112], %swap3A_115 {strides = array<i32>} : memref<79x128xi32, #tpu.memory_space<vmem>>, vector<1x16xi32>,
      %get3A_116 = arith.index_cast %scan3A_52 : i32 to index
      %get3A_117 = arith.constant 96 : index
      %get3A_118 = tpu.vector_load %arg8[%get3A_116, %get3A_117] {strides = array<i32>} : memref<79x128xi32, #tpu.memory_space<vmem>>, vector<1x16xi32>,
      %get3A_119 = vector.shape_cast %get3A_118 : vector<1x16xi32> to vector<16xi32>
      %add3A_120 = vector.broadcast %mul3A_8 : i32 to vector<16xi32>
      %add3A_121 = arith.addi %get3A_119, %add3A_120 : vector<16xi32>
      %swap3A_122 = arith.index_cast %scan3A_52 : i32 to index
      %swap3A_123 = arith.constant 96 : index
      %swap3A_124 = tpu.vector_load %arg8[%swap3A_122, %swap3A_123] {strides = array<i32>} : memref<79x128xi32, #tpu.memory_space<vmem>>, vector<1x16xi32>,
      %swap3A_125 = vector.shape_cast %swap3A_124 : vector<1x16xi32> to vector<16xi32>
      %swap3A_126 = vector.shape_cast %add3A_121 : vector<16xi32> to vector<1x16xi32>
      tpu.vector_store %arg8[%swap3A_122, %swap3A_123], %swap3A_126 {strides = array<i32>} : memref<79x128xi32, #tpu.memory_space<vmem>>, vector<1x16xi32>,
      %get3A_127 = arith.index_cast %scan3A_52 : i32 to index
      %get3A_128 = arith.constant 112 : index
      %get3A_129 = tpu.vector_load %arg8[%get3A_127, %get3A_128] {strides = array<i32>} : memref<79x128xi32, #tpu.memory_space<vmem>>, vector<1x16xi32>,
      %get3A_130 = vector.shape_cast %get3A_129 : vector<1x16xi32> to vector<16xi32>
      %add3A_131 = vector.broadcast %mul3A_8 : i32 to vector<16xi32>
      %add3A_132 = arith.addi %get3A_130, %add3A_131 : vector<16xi32>
      %swap3A_133 = arith.index_cast %scan3A_52 : i32 to index
      %swap3A_134 = arith.constant 112 : index
      %swap3A_135 = tpu.vector_load %arg8[%swap3A_133, %swap3A_134] {strides = array<i32>} : memref<79x128xi32, #tpu.memory_space<vmem>>, vector<1x16xi32>,
      %swap3A_136 = vector.shape_cast %swap3A_135 : vector<1x16xi32> to vector<16xi32>
      %swap3A_137 = vector.shape_cast %add3A_132 : vector<16xi32> to vector<1x16xi32>
      tpu.vector_store %arg8[%swap3A_133, %swap3A_134], %swap3A_137 {strides = array<i32>} : memref<79x128xi32, #tpu.memory_space<vmem>>, vector<1x16xi32>,
    }
    %scan3A_13 = arith.constant 79 : i32
    %barrier3A = arith.constant 0 : index
    tpu.barrier barrier_id(%barrier3A)
    %scan3A_14 = arith.constant 0 : i32
    %scan3A_15 = arith.constant 0 : i32
    %scan3A_16 = arith.constant 79 : i32
    %scan3A_17 = arith.addi %scan3A_15, %scan3A_16 : i32
    %scan3A_18 = arith.constant 1 : i32
    scf.for %scan3A_52 = %scan3A_15 to %scan3A_17 step %scan3A_18  : i32 {
      %dma_start3A = arith.constant 0 : i32
      %dma_start3A_53 = tpu.memref_slice %arg8[%scan3A_52, %dma_start3A] : memref<79x128xi32, #tpu.memory_space<vmem>> -> memref<1x128xi32, #tpu.memory_space<vmem>>
      %dma_start3A_54 = tpu.memref_squeeze %dma_start3A_53 : memref<1x128xi32, #tpu.memory_space<vmem>> -> memref<128xi32, #tpu.memory_space<vmem>>
      %dma_start3A_55 = arith.constant 0 : i32
      %dma_start3A_56 = arith.constant 0 : i32
      %dma_start3A_57 = tpu.memref_slice %arg2[%dma_start3A_55, %dma_start3A_56] : memref<180000x128xf32, #tpu.memory_space<hbm>> -> memref<180000x128xf32, #tpu.memory_space<hbm>>
      tpu.enqueue_indirect_dma source(%dma_start3A_57 : memref<180000x128xf32, #tpu.memory_space<hbm>>) target(%arg9 : memref<128x128xf32, #tpu.memory_space<vmem>>) offsets(%dma_start3A_54 : memref<128xi32, #tpu.memory_space<vmem>>) semaphore(%arg10 : memref<!tpu.dma_semaphore, #tpu.memory_space<semaphore_mem>>)
      %dma_wait3A = arith.constant 0 : i32
      %dma_wait3A_58 = tpu.memref_slice %arg8[%scan3A_52, %dma_wait3A] : memref<79x128xi32, #tpu.memory_space<vmem>> -> memref<1x128xi32, #tpu.memory_space<vmem>>
      %dma_wait3A_59 = tpu.memref_squeeze %dma_wait3A_58 : memref<1x128xi32, #tpu.memory_space<vmem>> -> memref<128xi32, #tpu.memory_space<vmem>>
      %dma_wait3A_60 = arith.constant 0 : i32
      %dma_wait3A_61 = arith.constant 0 : i32
      %dma_wait3A_62 = tpu.memref_slice %arg2[%dma_wait3A_60, %dma_wait3A_61] : memref<180000x128xf32, #tpu.memory_space<hbm>> -> memref<180000x128xf32, #tpu.memory_space<hbm>>
      tpu.wait_indirect_dma semaphore(%arg10 : memref<!tpu.dma_semaphore, #tpu.memory_space<semaphore_mem>>) src(%dma_wait3A_62 : memref<180000x128xf32, #tpu.memory_space<hbm>>) dst(%arg9 : memref<128x128xf32, #tpu.memory_space<vmem>>)
      "tpu.region"() ({
        %run_scoped3A = tpu.sem_alloc : memref<!tpu.dma_semaphore, #tpu.memory_space<semaphore_mem>>
        %dma_start3A_63 = arith.constant 0 : i32
        %dma_start3A_64 = tpu.memref_slice %arg7[%scan3A_52, %dma_start3A_63] : memref<79x128xi32, #tpu.memory_space<vmem>> -> memref<1x128xi32, #tpu.memory_space<vmem>>
        %dma_start3A_65 = tpu.memref_squeeze %dma_start3A_64 : memref<1x128xi32, #tpu.memory_space<vmem>> -> memref<128xi32, #tpu.memory_space<vmem>>
        %dma_start3A_66 = arith.constant 0 : i32
        %dma_start3A_67 = arith.constant 0 : i32
        %dma_start3A_68 = tpu.memref_slice %arg6[%dma_start3A_66, %dma_start3A_67] : memref<10016x128xf32, #tpu.memory_space<vmem_shared>> -> memref<10016x128xf32, #tpu.memory_space<vmem_shared>>
        tpu.enqueue_indirect_dma source(%arg9 : memref<128x128xf32, #tpu.memory_space<vmem>>) target(%dma_start3A_68 : memref<10016x128xf32, #tpu.memory_space<vmem_shared>>) offsets(%dma_start3A_65 : memref<128xi32, #tpu.memory_space<vmem>>) semaphore(%run_scoped3A : memref<!tpu.dma_semaphore, #tpu.memory_space<semaphore_mem>>) {add = true}
        %dma_wait3A_69 = arith.constant 0 : i32
        %dma_wait3A_70 = tpu.memref_slice %arg7[%scan3A_52, %dma_wait3A_69] : memref<79x128xi32, #tpu.memory_space<vmem>> -> memref<1x128xi32, #tpu.memory_space<vmem>>
        %dma_wait3A_71 = tpu.memref_squeeze %dma_wait3A_70 : memref<1x128xi32, #tpu.memory_space<vmem>> -> memref<128xi32, #tpu.memory_space<vmem>>
        %dma_wait3A_72 = arith.constant 0 : i32
        %dma_wait3A_73 = arith.constant 0 : i32
        %dma_wait3A_74 = tpu.memref_slice %arg6[%dma_wait3A_72, %dma_wait3A_73] : memref<10016x128xf32, #tpu.memory_space<vmem_shared>> -> memref<10016x128xf32, #tpu.memory_space<vmem_shared>>
        tpu.wait_indirect_dma semaphore(%run_scoped3A : memref<!tpu.dma_semaphore, #tpu.memory_space<semaphore_mem>>) src(%arg9 : memref<128x128xf32, #tpu.memory_space<vmem>>) dst(%dma_wait3A_74 : memref<10016x128xf32, #tpu.memory_space<vmem_shared>>)
        tpu.yield
      }) : () -> ()
    }
    %scan3A_19 = arith.constant 79 : i32
    %barrier3A_20 = arith.constant 0 : index
    tpu.barrier barrier_id(%barrier3A_20)
    %eq3A_21 = arith.constant 0 : i32
    %eq3A_22 = arith.cmpi eq, %arg0, %eq3A_21 : i32
    %lt3A_23 = arith.constant 15 : i32
    %lt3A_24 = arith.cmpi slt, %arg1, %lt3A_23 : i32
    %and3A = arith.andi %eq3A_22, %lt3A_24 : i1
    %convert_element_type3A_25 = arith.extui %and3A : i1 to i32
    %cond3A_26 = arith.constant 0 : i32
    %cond3A_27 = arith.cmpi ne, %convert_element_type3A_25, %cond3A_26 : i32
    scf.if %cond3A_27 {
      "tpu.region"() ({
        %run_scoped3A = tpu.sem_alloc : memref<!tpu.dma_semaphore, #tpu.memory_space<semaphore_mem>>
        %dma_start3A = arith.constant 0 : i32
        %dma_start3A_52 = tpu.memref_slice %arg5[%mul3A_0, %dma_start3A] : memref<10000x256xf32, #tpu.memory_space<hbm>> -> memref<632x128xf32, #tpu.memory_space<hbm>>
        %dma_start3A_53 = arith.constant 0 : i32
        %dma_start3A_54 = tpu.memref_slice %arg6[%mul3A_0, %dma_start3A_53] : memref<10016x128xf32, #tpu.memory_space<vmem_shared>> -> memref<632x128xf32, #tpu.memory_space<vmem_shared>>
        tpu.enqueue_dma source(%dma_start3A_54 : memref<632x128xf32, #tpu.memory_space<vmem_shared>>) target(%dma_start3A_52 : memref<632x128xf32, #tpu.memory_space<hbm>>) target_semaphore(%run_scoped3A : memref<!tpu.dma_semaphore, #tpu.memory_space<semaphore_mem>>)
        %dma_wait3A = arith.constant 0 : i32
        %dma_wait3A_55 = tpu.memref_slice %arg5[%mul3A_0, %dma_wait3A] : memref<10000x256xf32, #tpu.memory_space<hbm>> -> memref<632x128xf32, #tpu.memory_space<hbm>>
        %dma_wait3A_56 = arith.constant 0 : i32
        %dma_wait3A_57 = tpu.memref_slice %arg6[%mul3A_0, %dma_wait3A_56] : memref<10016x128xf32, #tpu.memory_space<vmem_shared>> -> memref<632x128xf32, #tpu.memory_space<vmem_shared>>
        tpu.wait_dma2 semaphore(%run_scoped3A : memref<!tpu.dma_semaphore, #tpu.memory_space<semaphore_mem>>) src(%dma_wait3A_57 : memref<632x128xf32, #tpu.memory_space<vmem_shared>>) dst(%dma_wait3A_55 : memref<632x128xf32, #tpu.memory_space<hbm>>)
        tpu.yield
      }) : () -> ()
    } else {
    }
    %eq3A_28 = arith.constant 0 : i32
    %eq3A_29 = arith.cmpi eq, %arg0, %eq3A_28 : i32
    %eq3A_30 = arith.constant 15 : i32
    %eq3A_31 = arith.cmpi eq, %arg1, %eq3A_30 : i32
    %and3A_32 = arith.andi %eq3A_29, %eq3A_31 : i1
    %convert_element_type3A_33 = arith.extui %and3A_32 : i1 to i32
    %cond3A_34 = arith.constant 0 : i32
    %cond3A_35 = arith.cmpi ne, %convert_element_type3A_33, %cond3A_34 : i32
    scf.if %cond3A_35 {
      "tpu.region"() ({
        %run_scoped3A = tpu.sem_alloc : memref<!tpu.dma_semaphore, #tpu.memory_space<semaphore_mem>>
        %dma_start3A = arith.constant 0 : i32
        %dma_start3A_52 = tpu.memref_slice %arg5[%mul3A_0, %dma_start3A] : memref<10000x256xf32, #tpu.memory_space<hbm>> -> memref<520x128xf32, #tpu.memory_space<hbm>>
        %dma_start3A_53 = arith.constant 0 : i32
        %dma_start3A_54 = tpu.memref_slice %arg6[%mul3A_0, %dma_start3A_53] : memref<10016x128xf32, #tpu.memory_space<vmem_shared>> -> memref<520x128xf32, #tpu.memory_space<vmem_shared>>
        tpu.enqueue_dma source(%dma_start3A_54 : memref<520x128xf32, #tpu.memory_space<vmem_shared>>) target(%dma_start3A_52 : memref<520x128xf32, #tpu.memory_space<hbm>>) target_semaphore(%run_scoped3A : memref<!tpu.dma_semaphore, #tpu.memory_space<semaphore_mem>>)
        %dma_wait3A = arith.constant 0 : i32
        %dma_wait3A_55 = tpu.memref_slice %arg5[%mul3A_0, %dma_wait3A] : memref<10000x256xf32, #tpu.memory_space<hbm>> -> memref<520x128xf32, #tpu.memory_space<hbm>>
        %dma_wait3A_56 = arith.constant 0 : i32
        %dma_wait3A_57 = tpu.memref_slice %arg6[%mul3A_0, %dma_wait3A_56] : memref<10016x128xf32, #tpu.memory_space<vmem_shared>> -> memref<520x128xf32, #tpu.memory_space<vmem_shared>>
        tpu.wait_dma2 semaphore(%run_scoped3A : memref<!tpu.dma_semaphore, #tpu.memory_space<semaphore_mem>>) src(%dma_wait3A_57 : memref<520x128xf32, #tpu.memory_space<vmem_shared>>) dst(%dma_wait3A_55 : memref<520x128xf32, #tpu.memory_space<hbm>>)
        tpu.yield
      }) : () -> ()
    } else {
    }
    %eq3A_36 = arith.constant 1 : i32
    %eq3A_37 = arith.cmpi eq, %arg0, %eq3A_36 : i32
    %lt3A_38 = arith.constant 15 : i32
    %lt3A_39 = arith.cmpi slt, %arg1, %lt3A_38 : i32
    %and3A_40 = arith.andi %eq3A_37, %lt3A_39 : i1
    %convert_element_type3A_41 = arith.extui %and3A_40 : i1 to i32
    %cond3A_42 = arith.constant 0 : i32
    %cond3A_43 = arith.cmpi ne, %convert_element_type3A_41, %cond3A_42 : i32
    scf.if %cond3A_43 {
      "tpu.region"() ({
        %run_scoped3A = tpu.sem_alloc : memref<!tpu.dma_semaphore, #tpu.memory_space<semaphore_mem>>
        %dma_start3A = arith.constant 128 : i32
        %dma_start3A_52 = tpu.memref_slice %arg5[%mul3A_0, %dma_start3A] : memref<10000x256xf32, #tpu.memory_space<hbm>> -> memref<632x128xf32, #tpu.memory_space<hbm>>
        %dma_start3A_53 = arith.constant 0 : i32
        %dma_start3A_54 = tpu.memref_slice %arg6[%mul3A_0, %dma_start3A_53] : memref<10016x128xf32, #tpu.memory_space<vmem_shared>> -> memref<632x128xf32, #tpu.memory_space<vmem_shared>>
        tpu.enqueue_dma source(%dma_start3A_54 : memref<632x128xf32, #tpu.memory_space<vmem_shared>>) target(%dma_start3A_52 : memref<632x128xf32, #tpu.memory_space<hbm>>) target_semaphore(%run_scoped3A : memref<!tpu.dma_semaphore, #tpu.memory_space<semaphore_mem>>)
        %dma_wait3A = arith.constant 128 : i32
        %dma_wait3A_55 = tpu.memref_slice %arg5[%mul3A_0, %dma_wait3A] : memref<10000x256xf32, #tpu.memory_space<hbm>> -> memref<632x128xf32, #tpu.memory_space<hbm>>
        %dma_wait3A_56 = arith.constant 0 : i32
        %dma_wait3A_57 = tpu.memref_slice %arg6[%mul3A_0, %dma_wait3A_56] : memref<10016x128xf32, #tpu.memory_space<vmem_shared>> -> memref<632x128xf32, #tpu.memory_space<vmem_shared>>
        tpu.wait_dma2 semaphore(%run_scoped3A : memref<!tpu.dma_semaphore, #tpu.memory_space<semaphore_mem>>) src(%dma_wait3A_57 : memref<632x128xf32, #tpu.memory_space<vmem_shared>>) dst(%dma_wait3A_55 : memref<632x128xf32, #tpu.memory_space<hbm>>)
        tpu.yield
      }) : () -> ()
    } else {
    }
    %eq3A_44 = arith.constant 1 : i32
    %eq3A_45 = arith.cmpi eq, %arg0, %eq3A_44 : i32
    %eq3A_46 = arith.constant 15 : i32
    %eq3A_47 = arith.cmpi eq, %arg1, %eq3A_46 : i32
    %and3A_48 = arith.andi %eq3A_45, %eq3A_47 : i1
    %convert_element_type3A_49 = arith.extui %and3A_48 : i1 to i32
    %cond3A_50 = arith.constant 0 : i32
    %cond3A_51 = arith.cmpi ne, %convert_element_type3A_49, %cond3A_50 : i32
    scf.if %cond3A_51 {
      "tpu.region"() ({
        %run_scoped3A = tpu.sem_alloc : memref<!tpu.dma_semaphore, #tpu.memory_space<semaphore_mem>>
        %dma_start3A = arith.constant 128 : i32
        %dma_start3A_52 = tpu.memref_slice %arg5[%mul3A_0, %dma_start3A] : memref<10000x256xf32, #tpu.memory_space<hbm>> -> memref<520x128xf32, #tpu.memory_space<hbm>>
        %dma_start3A_53 = arith.constant 0 : i32
        %dma_start3A_54 = tpu.memref_slice %arg6[%mul3A_0, %dma_start3A_53] : memref<10016x128xf32, #tpu.memory_space<vmem_shared>> -> memref<520x128xf32, #tpu.memory_space<vmem_shared>>
        tpu.enqueue_dma source(%dma_start3A_54 : memref<520x128xf32, #tpu.memory_space<vmem_shared>>) target(%dma_start3A_52 : memref<520x128xf32, #tpu.memory_space<hbm>>) target_semaphore(%run_scoped3A : memref<!tpu.dma_semaphore, #tpu.memory_space<semaphore_mem>>)
        %dma_wait3A = arith.constant 128 : i32
        %dma_wait3A_55 = tpu.memref_slice %arg5[%mul3A_0, %dma_wait3A] : memref<10000x256xf32, #tpu.memory_space<hbm>> -> memref<520x128xf32, #tpu.memory_space<hbm>>
        %dma_wait3A_56 = arith.constant 0 : i32
        %dma_wait3A_57 = tpu.memref_slice %arg6[%mul3A_0, %dma_wait3A_56] : memref<10016x128xf32, #tpu.memory_space<vmem_shared>> -> memref<520x128xf32, #tpu.memory_space<vmem_shared>>
        tpu.wait_dma2 semaphore(%run_scoped3A : memref<!tpu.dma_semaphore, #tpu.memory_space<semaphore_mem>>) src(%dma_wait3A_57 : memref<520x128xf32, #tpu.memory_space<vmem_shared>>) dst(%dma_wait3A_55 : memref<520x128xf32, #tpu.memory_space<hbm>>)
        tpu.yield
      }) : () -> ()
    } else {
    }
    return
  }
}

module attributes {stable_mosaic.version = 14 : i64} {
  func.func @_tc_transform_body(%arg0: i32, %arg1: memref<1000x256xf32, #tpu.memory_space<vmem>>, %arg2: memref<256x2304xbf16, #tpu.memory_space<vmem>>, %arg3: memref<1x2304xf32, #tpu.memory_space<vmem>>, %arg4: memref<2x9x1000x128xf32, #tpu.memory_space<vmem>>) attributes {dimension_semantics = [#tpu.dimension_semantics<arbitrary>], iteration_bounds = array<i64: 10>, scalar_prefetch = 0 : i64, scratch_operands = 0 : i64, tpu.core_type = #tpu.core_type<tc>, window_params = [{transform_indices = @transform_0, window_bounds = array<i64: 1000, 256>}, {pipeline_mode = #tpu.pipeline_mode<synchronous>, transform_indices = @transform_1, window_bounds = array<i64: 256, 2304>}, {pipeline_mode = #tpu.pipeline_mode<synchronous>, transform_indices = @transform_2, window_bounds = array<i64: 1, 2304>}, {transform_indices = @transform_3, window_bounds = array<i64: 2, 9, 1000, 128>}]} {
    %get3A = arith.constant 0 : index
    %get3A_0 = arith.constant 0 : index
    %get3A_1 = vector.load %arg1[%get3A, %get3A_0] : memref<1000x256xf32, #tpu.memory_space<vmem>>, vector<1000x256xf32>
    %max3A = arith.constant 0.000000e+00 : f32
    %max3A_2 = vector.broadcast %max3A : f32 to vector<1000x256xf32>
    %max3A_3 = arith.maximumf %get3A_1, %max3A_2 : vector<1000x256xf32>
    %convert_element_type3A = arith.truncf %max3A_3 : vector<1000x256xf32> to vector<1000x256xbf16>
    %get3A_4 = arith.constant 0 : index
    %get3A_5 = arith.constant 0 : index
    %get3A_6 = vector.load %arg2[%get3A_4, %get3A_5] : memref<256x2304xbf16, #tpu.memory_space<vmem>>, vector<256x2304xbf16>
    %dot_general3A = arith.constant dense<0.000000e+00> : vector<1000x2304xf32>
    %dot_general3A_7 = tpu.matmul %convert_element_type3A, %get3A_6, %dot_general3A {dimension_numbers = #tpu.dot_dimension_numbers<[1], [0], [0], [1], [0, 0, 1, 1], [], []>, transpose_lhs_hint = false} : vector<1000x256xbf16>, vector<256x2304xbf16>, vector<1000x2304xf32> -> vector<1000x2304xf32>
    %get3A_8 = arith.constant 0 : index
    %get3A_9 = arith.constant 0 : index
    %get3A_10 = vector.load %arg3[%get3A_8, %get3A_9] : memref<1x2304xf32, #tpu.memory_space<vmem>>, vector<1x2304xf32>
    %add3A = vector.broadcast %get3A_10 : vector<1x2304xf32> to vector<1000x2304xf32>
    %add3A_11 = arith.addf %dot_general3A_7, %add3A : vector<1000x2304xf32>
    %slice3A = vector.extract_strided_slice %add3A_11 {offsets = [0, 0], sizes = [1000, 128], strides = [1, 1]} : vector<1000x2304xf32> to vector<1000x128xf32>
    %swap3A = arith.constant 0 : index
    %swap3A_12 = arith.constant 0 : index
    %swap3A_13 = arith.constant 0 : index
    %swap3A_14 = arith.constant 0 : index
    %swap3A_15 = vector.load %arg4[%swap3A, %swap3A_12, %swap3A_13, %swap3A_14] : memref<2x9x1000x128xf32, #tpu.memory_space<vmem>>, vector<1x1x1000x128xf32>
    %swap3A_16 = vector.shape_cast %swap3A_15 : vector<1x1x1000x128xf32> to vector<1000x128xf32>
    %swap3A_17 = vector.shape_cast %slice3A : vector<1000x128xf32> to vector<1x1x1000x128xf32>
    tpu.vector_store %arg4[%swap3A, %swap3A_12, %swap3A_13, %swap3A_14], %swap3A_17 {strides = array<i32>} : memref<2x9x1000x128xf32, #tpu.memory_space<vmem>>, vector<1x1x1000x128xf32>,
    %slice3A_18 = vector.extract_strided_slice %add3A_11 {offsets = [0, 256], sizes = [1000, 128], strides = [1, 1]} : vector<1000x2304xf32> to vector<1000x128xf32>
    %swap3A_19 = arith.constant 0 : index
    %swap3A_20 = arith.constant 1 : index
    %swap3A_21 = arith.constant 0 : index
    %swap3A_22 = arith.constant 0 : index
    %swap3A_23 = vector.load %arg4[%swap3A_19, %swap3A_20, %swap3A_21, %swap3A_22] : memref<2x9x1000x128xf32, #tpu.memory_space<vmem>>, vector<1x1x1000x128xf32>
    %swap3A_24 = vector.shape_cast %swap3A_23 : vector<1x1x1000x128xf32> to vector<1000x128xf32>
    %swap3A_25 = vector.shape_cast %slice3A_18 : vector<1000x128xf32> to vector<1x1x1000x128xf32>
    tpu.vector_store %arg4[%swap3A_19, %swap3A_20, %swap3A_21, %swap3A_22], %swap3A_25 {strides = array<i32>} : memref<2x9x1000x128xf32, #tpu.memory_space<vmem>>, vector<1x1x1000x128xf32>,
    %slice3A_26 = vector.extract_strided_slice %add3A_11 {offsets = [0, 512], sizes = [1000, 128], strides = [1, 1]} : vector<1000x2304xf32> to vector<1000x128xf32>
    %swap3A_27 = arith.constant 0 : index
    %swap3A_28 = arith.constant 2 : index
    %swap3A_29 = arith.constant 0 : index
    %swap3A_30 = arith.constant 0 : index
    %swap3A_31 = vector.load %arg4[%swap3A_27, %swap3A_28, %swap3A_29, %swap3A_30] : memref<2x9x1000x128xf32, #tpu.memory_space<vmem>>, vector<1x1x1000x128xf32>
    %swap3A_32 = vector.shape_cast %swap3A_31 : vector<1x1x1000x128xf32> to vector<1000x128xf32>
    %swap3A_33 = vector.shape_cast %slice3A_26 : vector<1000x128xf32> to vector<1x1x1000x128xf32>
    tpu.vector_store %arg4[%swap3A_27, %swap3A_28, %swap3A_29, %swap3A_30], %swap3A_33 {strides = array<i32>} : memref<2x9x1000x128xf32, #tpu.memory_space<vmem>>, vector<1x1x1000x128xf32>,
    %slice3A_34 = vector.extract_strided_slice %add3A_11 {offsets = [0, 768], sizes = [1000, 128], strides = [1, 1]} : vector<1000x2304xf32> to vector<1000x128xf32>
    %swap3A_35 = arith.constant 0 : index
    %swap3A_36 = arith.constant 3 : index
    %swap3A_37 = arith.constant 0 : index
    %swap3A_38 = arith.constant 0 : index
    %swap3A_39 = vector.load %arg4[%swap3A_35, %swap3A_36, %swap3A_37, %swap3A_38] : memref<2x9x1000x128xf32, #tpu.memory_space<vmem>>, vector<1x1x1000x128xf32>
    %swap3A_40 = vector.shape_cast %swap3A_39 : vector<1x1x1000x128xf32> to vector<1000x128xf32>
    %swap3A_41 = vector.shape_cast %slice3A_34 : vector<1000x128xf32> to vector<1x1x1000x128xf32>
    tpu.vector_store %arg4[%swap3A_35, %swap3A_36, %swap3A_37, %swap3A_38], %swap3A_41 {strides = array<i32>} : memref<2x9x1000x128xf32, #tpu.memory_space<vmem>>, vector<1x1x1000x128xf32>,
    %slice3A_42 = vector.extract_strided_slice %add3A_11 {offsets = [0, 1024], sizes = [1000, 128], strides = [1, 1]} : vector<1000x2304xf32> to vector<1000x128xf32>
    %swap3A_43 = arith.constant 0 : index
    %swap3A_44 = arith.constant 4 : index
    %swap3A_45 = arith.constant 0 : index
    %swap3A_46 = arith.constant 0 : index
    %swap3A_47 = vector.load %arg4[%swap3A_43, %swap3A_44, %swap3A_45, %swap3A_46] : memref<2x9x1000x128xf32, #tpu.memory_space<vmem>>, vector<1x1x1000x128xf32>
    %swap3A_48 = vector.shape_cast %swap3A_47 : vector<1x1x1000x128xf32> to vector<1000x128xf32>
    %swap3A_49 = vector.shape_cast %slice3A_42 : vector<1000x128xf32> to vector<1x1x1000x128xf32>
    tpu.vector_store %arg4[%swap3A_43, %swap3A_44, %swap3A_45, %swap3A_46], %swap3A_49 {strides = array<i32>} : memref<2x9x1000x128xf32, #tpu.memory_space<vmem>>, vector<1x1x1000x128xf32>,
    %slice3A_50 = vector.extract_strided_slice %add3A_11 {offsets = [0, 1280], sizes = [1000, 128], strides = [1, 1]} : vector<1000x2304xf32> to vector<1000x128xf32>
    %swap3A_51 = arith.constant 0 : index
    %swap3A_52 = arith.constant 5 : index
    %swap3A_53 = arith.constant 0 : index
    %swap3A_54 = arith.constant 0 : index
    %swap3A_55 = vector.load %arg4[%swap3A_51, %swap3A_52, %swap3A_53, %swap3A_54] : memref<2x9x1000x128xf32, #tpu.memory_space<vmem>>, vector<1x1x1000x128xf32>
    %swap3A_56 = vector.shape_cast %swap3A_55 : vector<1x1x1000x128xf32> to vector<1000x128xf32>
    %swap3A_57 = vector.shape_cast %slice3A_50 : vector<1000x128xf32> to vector<1x1x1000x128xf32>
    tpu.vector_store %arg4[%swap3A_51, %swap3A_52, %swap3A_53, %swap3A_54], %swap3A_57 {strides = array<i32>} : memref<2x9x1000x128xf32, #tpu.memory_space<vmem>>, vector<1x1x1000x128xf32>,
    %slice3A_58 = vector.extract_strided_slice %add3A_11 {offsets = [0, 1536], sizes = [1000, 128], strides = [1, 1]} : vector<1000x2304xf32> to vector<1000x128xf32>
    %swap3A_59 = arith.constant 0 : index
    %swap3A_60 = arith.constant 6 : index
    %swap3A_61 = arith.constant 0 : index
    %swap3A_62 = arith.constant 0 : index
    %swap3A_63 = vector.load %arg4[%swap3A_59, %swap3A_60, %swap3A_61, %swap3A_62] : memref<2x9x1000x128xf32, #tpu.memory_space<vmem>>, vector<1x1x1000x128xf32>
    %swap3A_64 = vector.shape_cast %swap3A_63 : vector<1x1x1000x128xf32> to vector<1000x128xf32>
    %swap3A_65 = vector.shape_cast %slice3A_58 : vector<1000x128xf32> to vector<1x1x1000x128xf32>
    tpu.vector_store %arg4[%swap3A_59, %swap3A_60, %swap3A_61, %swap3A_62], %swap3A_65 {strides = array<i32>} : memref<2x9x1000x128xf32, #tpu.memory_space<vmem>>, vector<1x1x1000x128xf32>,
    %slice3A_66 = vector.extract_strided_slice %add3A_11 {offsets = [0, 1792], sizes = [1000, 128], strides = [1, 1]} : vector<1000x2304xf32> to vector<1000x128xf32>
    %swap3A_67 = arith.constant 0 : index
    %swap3A_68 = arith.constant 7 : index
    %swap3A_69 = arith.constant 0 : index
    %swap3A_70 = arith.constant 0 : index
    %swap3A_71 = vector.load %arg4[%swap3A_67, %swap3A_68, %swap3A_69, %swap3A_70] : memref<2x9x1000x128xf32, #tpu.memory_space<vmem>>, vector<1x1x1000x128xf32>
    %swap3A_72 = vector.shape_cast %swap3A_71 : vector<1x1x1000x128xf32> to vector<1000x128xf32>
    %swap3A_73 = vector.shape_cast %slice3A_66 : vector<1000x128xf32> to vector<1x1x1000x128xf32>
    tpu.vector_store %arg4[%swap3A_67, %swap3A_68, %swap3A_69, %swap3A_70], %swap3A_73 {strides = array<i32>} : memref<2x9x1000x128xf32, #tpu.memory_space<vmem>>, vector<1x1x1000x128xf32>,
    %slice3A_74 = vector.extract_strided_slice %add3A_11 {offsets = [0, 2048], sizes = [1000, 128], strides = [1, 1]} : vector<1000x2304xf32> to vector<1000x128xf32>
    %swap3A_75 = arith.constant 0 : index
    %swap3A_76 = arith.constant 8 : index
    %swap3A_77 = arith.constant 0 : index
    %swap3A_78 = arith.constant 0 : index
    %swap3A_79 = vector.load %arg4[%swap3A_75, %swap3A_76, %swap3A_77, %swap3A_78] : memref<2x9x1000x128xf32, #tpu.memory_space<vmem>>, vector<1x1x1000x128xf32>
    %swap3A_80 = vector.shape_cast %swap3A_79 : vector<1x1x1000x128xf32> to vector<1000x128xf32>
    %swap3A_81 = vector.shape_cast %slice3A_74 : vector<1000x128xf32> to vector<1x1x1000x128xf32>
    tpu.vector_store %arg4[%swap3A_75, %swap3A_76, %swap3A_77, %swap3A_78], %swap3A_81 {strides = array<i32>} : memref<2x9x1000x128xf32, #tpu.memory_space<vmem>>, vector<1x1x1000x128xf32>,
    %slice3A_82 = vector.extract_strided_slice %add3A_11 {offsets = [0, 128], sizes = [1000, 128], strides = [1, 1]} : vector<1000x2304xf32> to vector<1000x128xf32>
    %swap3A_83 = arith.constant 1 : index
    %swap3A_84 = arith.constant 0 : index
    %swap3A_85 = arith.constant 0 : index
    %swap3A_86 = arith.constant 0 : index
    %swap3A_87 = vector.load %arg4[%swap3A_83, %swap3A_84, %swap3A_85, %swap3A_86] : memref<2x9x1000x128xf32, #tpu.memory_space<vmem>>, vector<1x1x1000x128xf32>
    %swap3A_88 = vector.shape_cast %swap3A_87 : vector<1x1x1000x128xf32> to vector<1000x128xf32>
    %swap3A_89 = vector.shape_cast %slice3A_82 : vector<1000x128xf32> to vector<1x1x1000x128xf32>
    tpu.vector_store %arg4[%swap3A_83, %swap3A_84, %swap3A_85, %swap3A_86], %swap3A_89 {strides = array<i32>} : memref<2x9x1000x128xf32, #tpu.memory_space<vmem>>, vector<1x1x1000x128xf32>,
    %slice3A_90 = vector.extract_strided_slice %add3A_11 {offsets = [0, 384], sizes = [1000, 128], strides = [1, 1]} : vector<1000x2304xf32> to vector<1000x128xf32>
    %swap3A_91 = arith.constant 1 : index
    %swap3A_92 = arith.constant 1 : index
    %swap3A_93 = arith.constant 0 : index
    %swap3A_94 = arith.constant 0 : index
    %swap3A_95 = vector.load %arg4[%swap3A_91, %swap3A_92, %swap3A_93, %swap3A_94] : memref<2x9x1000x128xf32, #tpu.memory_space<vmem>>, vector<1x1x1000x128xf32>
    %swap3A_96 = vector.shape_cast %swap3A_95 : vector<1x1x1000x128xf32> to vector<1000x128xf32>
    %swap3A_97 = vector.shape_cast %slice3A_90 : vector<1000x128xf32> to vector<1x1x1000x128xf32>
    tpu.vector_store %arg4[%swap3A_91, %swap3A_92, %swap3A_93, %swap3A_94], %swap3A_97 {strides = array<i32>} : memref<2x9x1000x128xf32, #tpu.memory_space<vmem>>, vector<1x1x1000x128xf32>,
    %slice3A_98 = vector.extract_strided_slice %add3A_11 {offsets = [0, 640], sizes = [1000, 128], strides = [1, 1]} : vector<1000x2304xf32> to vector<1000x128xf32>
    %swap3A_99 = arith.constant 1 : index
    %swap3A_100 = arith.constant 2 : index
    %swap3A_101 = arith.constant 0 : index
    %swap3A_102 = arith.constant 0 : index
    %swap3A_103 = vector.load %arg4[%swap3A_99, %swap3A_100, %swap3A_101, %swap3A_102] : memref<2x9x1000x128xf32, #tpu.memory_space<vmem>>, vector<1x1x1000x128xf32>
    %swap3A_104 = vector.shape_cast %swap3A_103 : vector<1x1x1000x128xf32> to vector<1000x128xf32>
    %swap3A_105 = vector.shape_cast %slice3A_98 : vector<1000x128xf32> to vector<1x1x1000x128xf32>
    tpu.vector_store %arg4[%swap3A_99, %swap3A_100, %swap3A_101, %swap3A_102], %swap3A_105 {strides = array<i32>} : memref<2x9x1000x128xf32, #tpu.memory_space<vmem>>, vector<1x1x1000x128xf32>,
    %slice3A_106 = vector.extract_strided_slice %add3A_11 {offsets = [0, 896], sizes = [1000, 128], strides = [1, 1]} : vector<1000x2304xf32> to vector<1000x128xf32>
    %swap3A_107 = arith.constant 1 : index
    %swap3A_108 = arith.constant 3 : index
    %swap3A_109 = arith.constant 0 : index
    %swap3A_110 = arith.constant 0 : index
    %swap3A_111 = vector.load %arg4[%swap3A_107, %swap3A_108, %swap3A_109, %swap3A_110] : memref<2x9x1000x128xf32, #tpu.memory_space<vmem>>, vector<1x1x1000x128xf32>
    %swap3A_112 = vector.shape_cast %swap3A_111 : vector<1x1x1000x128xf32> to vector<1000x128xf32>
    %swap3A_113 = vector.shape_cast %slice3A_106 : vector<1000x128xf32> to vector<1x1x1000x128xf32>
    tpu.vector_store %arg4[%swap3A_107, %swap3A_108, %swap3A_109, %swap3A_110], %swap3A_113 {strides = array<i32>} : memref<2x9x1000x128xf32, #tpu.memory_space<vmem>>, vector<1x1x1000x128xf32>,
    %slice3A_114 = vector.extract_strided_slice %add3A_11 {offsets = [0, 1152], sizes = [1000, 128], strides = [1, 1]} : vector<1000x2304xf32> to vector<1000x128xf32>
    %swap3A_115 = arith.constant 1 : index
    %swap3A_116 = arith.constant 4 : index
    %swap3A_117 = arith.constant 0 : index
    %swap3A_118 = arith.constant 0 : index
    %swap3A_119 = vector.load %arg4[%swap3A_115, %swap3A_116, %swap3A_117, %swap3A_118] : memref<2x9x1000x128xf32, #tpu.memory_space<vmem>>, vector<1x1x1000x128xf32>
    %swap3A_120 = vector.shape_cast %swap3A_119 : vector<1x1x1000x128xf32> to vector<1000x128xf32>
    %swap3A_121 = vector.shape_cast %slice3A_114 : vector<1000x128xf32> to vector<1x1x1000x128xf32>
    tpu.vector_store %arg4[%swap3A_115, %swap3A_116, %swap3A_117, %swap3A_118], %swap3A_121 {strides = array<i32>} : memref<2x9x1000x128xf32, #tpu.memory_space<vmem>>, vector<1x1x1000x128xf32>,
    %slice3A_122 = vector.extract_strided_slice %add3A_11 {offsets = [0, 1408], sizes = [1000, 128], strides = [1, 1]} : vector<1000x2304xf32> to vector<1000x128xf32>
    %swap3A_123 = arith.constant 1 : index
    %swap3A_124 = arith.constant 5 : index
    %swap3A_125 = arith.constant 0 : index
    %swap3A_126 = arith.constant 0 : index
    %swap3A_127 = vector.load %arg4[%swap3A_123, %swap3A_124, %swap3A_125, %swap3A_126] : memref<2x9x1000x128xf32, #tpu.memory_space<vmem>>, vector<1x1x1000x128xf32>
    %swap3A_128 = vector.shape_cast %swap3A_127 : vector<1x1x1000x128xf32> to vector<1000x128xf32>
    %swap3A_129 = vector.shape_cast %slice3A_122 : vector<1000x128xf32> to vector<1x1x1000x128xf32>
    tpu.vector_store %arg4[%swap3A_123, %swap3A_124, %swap3A_125, %swap3A_126], %swap3A_129 {strides = array<i32>} : memref<2x9x1000x128xf32, #tpu.memory_space<vmem>>, vector<1x1x1000x128xf32>,
    %slice3A_130 = vector.extract_strided_slice %add3A_11 {offsets = [0, 1664], sizes = [1000, 128], strides = [1, 1]} : vector<1000x2304xf32> to vector<1000x128xf32>
    %swap3A_131 = arith.constant 1 : index
    %swap3A_132 = arith.constant 6 : index
    %swap3A_133 = arith.constant 0 : index
    %swap3A_134 = arith.constant 0 : index
    %swap3A_135 = vector.load %arg4[%swap3A_131, %swap3A_132, %swap3A_133, %swap3A_134] : memref<2x9x1000x128xf32, #tpu.memory_space<vmem>>, vector<1x1x1000x128xf32>
    %swap3A_136 = vector.shape_cast %swap3A_135 : vector<1x1x1000x128xf32> to vector<1000x128xf32>
    %swap3A_137 = vector.shape_cast %slice3A_130 : vector<1000x128xf32> to vector<1x1x1000x128xf32>
    tpu.vector_store %arg4[%swap3A_131, %swap3A_132, %swap3A_133, %swap3A_134], %swap3A_137 {strides = array<i32>} : memref<2x9x1000x128xf32, #tpu.memory_space<vmem>>, vector<1x1x1000x128xf32>,
    %slice3A_138 = vector.extract_strided_slice %add3A_11 {offsets = [0, 1920], sizes = [1000, 128], strides = [1, 1]} : vector<1000x2304xf32> to vector<1000x128xf32>
    %swap3A_139 = arith.constant 1 : index
    %swap3A_140 = arith.constant 7 : index
    %swap3A_141 = arith.constant 0 : index
    %swap3A_142 = arith.constant 0 : index
    %swap3A_143 = vector.load %arg4[%swap3A_139, %swap3A_140, %swap3A_141, %swap3A_142] : memref<2x9x1000x128xf32, #tpu.memory_space<vmem>>, vector<1x1x1000x128xf32>
    %swap3A_144 = vector.shape_cast %swap3A_143 : vector<1x1x1000x128xf32> to vector<1000x128xf32>
    %swap3A_145 = vector.shape_cast %slice3A_138 : vector<1000x128xf32> to vector<1x1x1000x128xf32>
    tpu.vector_store %arg4[%swap3A_139, %swap3A_140, %swap3A_141, %swap3A_142], %swap3A_145 {strides = array<i32>} : memref<2x9x1000x128xf32, #tpu.memory_space<vmem>>, vector<1x1x1000x128xf32>,
    %slice3A_146 = vector.extract_strided_slice %add3A_11 {offsets = [0, 2176], sizes = [1000, 128], strides = [1, 1]} : vector<1000x2304xf32> to vector<1000x128xf32>
    %swap3A_147 = arith.constant 1 : index
    %swap3A_148 = arith.constant 8 : index
    %swap3A_149 = arith.constant 0 : index
    %swap3A_150 = arith.constant 0 : index
    %swap3A_151 = vector.load %arg4[%swap3A_147, %swap3A_148, %swap3A_149, %swap3A_150] : memref<2x9x1000x128xf32, #tpu.memory_space<vmem>>, vector<1x1x1000x128xf32>
    %swap3A_152 = vector.shape_cast %swap3A_151 : vector<1x1x1000x128xf32> to vector<1000x128xf32>
    %swap3A_153 = vector.shape_cast %slice3A_146 : vector<1000x128xf32> to vector<1x1x1000x128xf32>
    tpu.vector_store %arg4[%swap3A_147, %swap3A_148, %swap3A_149, %swap3A_150], %swap3A_153 {strides = array<i32>} : memref<2x9x1000x128xf32, #tpu.memory_space<vmem>>, vector<1x1x1000x128xf32>,
    return
  }
  func.func @transform_0(%arg0: i32) -> (i32, i32) {
    %c0_i32 = arith.constant 0 : i32
    %c0_i32_0 = arith.constant 0 : i32
    return %arg0, %c0_i32 : i32, i32
  }
  func.func @transform_1(%arg0: i32) -> (i32, i32) {
    %c0_i32 = arith.constant 0 : i32
    %c0_i32_0 = arith.constant 0 : i32
    %c0_i32_1 = arith.constant 0 : i32
    return %c0_i32, %c0_i32_0 : i32, i32
  }
  func.func @transform_2(%arg0: i32) -> (i32, i32) {
    %c0_i32 = arith.constant 0 : i32
    %c0_i32_0 = arith.constant 0 : i32
    %c0_i32_1 = arith.constant 0 : i32
    return %c0_i32, %c0_i32_0 : i32, i32
  }
  func.func @transform_3(%arg0: i32) -> (i32, i32, i32, i32) {
    %c0_i32 = arith.constant 0 : i32
    %c0_i32_0 = arith.constant 0 : i32
    %c0_i32_1 = arith.constant 0 : i32
    %c0_i32_2 = arith.constant 0 : i32
    return %c0_i32, %c0_i32_0, %arg0, %c0_i32_1 : i32, i32, i32, i32
  }
}

module attributes {stable_mosaic.version = 14 : i64} {
  func.func @_tc_transform_body(%arg0: i32, %arg1: memref<1000x256xf32, #tpu.memory_space<vmem>>, %arg2: memref<256x2304xbf16, #tpu.memory_space<vmem>>, %arg3: memref<1x2304xf32, #tpu.memory_space<vmem>>, %arg4: memref<2x9x1000x128xf32, #tpu.memory_space<vmem>>) attributes {dimension_semantics = [#tpu.dimension_semantics<arbitrary>], iteration_bounds = array<i64: 10>, scalar_prefetch = 0 : i64, scratch_operands = 0 : i64, tpu.core_type = #tpu.core_type<tc>, window_params = [{transform_indices = @transform_0, window_bounds = array<i64: 1000, 256>}, {pipeline_mode = #tpu.pipeline_mode<synchronous>, transform_indices = @transform_1, window_bounds = array<i64: 256, 2304>}, {pipeline_mode = #tpu.pipeline_mode<synchronous>, transform_indices = @transform_2, window_bounds = array<i64: 1, 2304>}, {transform_indices = @transform_3, window_bounds = array<i64: 2, 9, 1000, 128>}]} {
    %get3A = arith.constant 0 : index
    %get3A_0 = arith.constant 0 : index
    %get3A_1 = vector.load %arg1[%get3A, %get3A_0] : memref<1000x256xf32, #tpu.memory_space<vmem>>, vector<1000x256xf32>
    %convert_element_type3A = arith.truncf %get3A_1 : vector<1000x256xf32> to vector<1000x256xbf16>
    %get3A_2 = arith.constant 0 : index
    %get3A_3 = arith.constant 0 : index
    %get3A_4 = vector.load %arg2[%get3A_2, %get3A_3] : memref<256x2304xbf16, #tpu.memory_space<vmem>>, vector<256x2304xbf16>
    %dot_general3A = arith.constant dense<0.000000e+00> : vector<1000x2304xf32>
    %dot_general3A_5 = tpu.matmul %convert_element_type3A, %get3A_4, %dot_general3A {dimension_numbers = #tpu.dot_dimension_numbers<[1], [0], [0], [1], [0, 0, 1, 1], [], []>, transpose_lhs_hint = false} : vector<1000x256xbf16>, vector<256x2304xbf16>, vector<1000x2304xf32> -> vector<1000x2304xf32>
    %get3A_6 = arith.constant 0 : index
    %get3A_7 = arith.constant 0 : index
    %get3A_8 = vector.load %arg3[%get3A_6, %get3A_7] : memref<1x2304xf32, #tpu.memory_space<vmem>>, vector<1x2304xf32>
    %add3A = vector.broadcast %get3A_8 : vector<1x2304xf32> to vector<1000x2304xf32>
    %add3A_9 = arith.addf %dot_general3A_5, %add3A : vector<1000x2304xf32>
    %slice3A = vector.extract_strided_slice %add3A_9 {offsets = [0, 0], sizes = [1000, 128], strides = [1, 1]} : vector<1000x2304xf32> to vector<1000x128xf32>
    %swap3A = arith.constant 0 : index
    %swap3A_10 = arith.constant 0 : index
    %swap3A_11 = arith.constant 0 : index
    %swap3A_12 = arith.constant 0 : index
    %swap3A_13 = vector.load %arg4[%swap3A, %swap3A_10, %swap3A_11, %swap3A_12] : memref<2x9x1000x128xf32, #tpu.memory_space<vmem>>, vector<1x1x1000x128xf32>
    %swap3A_14 = vector.shape_cast %swap3A_13 : vector<1x1x1000x128xf32> to vector<1000x128xf32>
    %swap3A_15 = vector.shape_cast %slice3A : vector<1000x128xf32> to vector<1x1x1000x128xf32>
    tpu.vector_store %arg4[%swap3A, %swap3A_10, %swap3A_11, %swap3A_12], %swap3A_15 {strides = array<i32>} : memref<2x9x1000x128xf32, #tpu.memory_space<vmem>>, vector<1x1x1000x128xf32>,
    %slice3A_16 = vector.extract_strided_slice %add3A_9 {offsets = [0, 256], sizes = [1000, 128], strides = [1, 1]} : vector<1000x2304xf32> to vector<1000x128xf32>
    %swap3A_17 = arith.constant 0 : index
    %swap3A_18 = arith.constant 1 : index
    %swap3A_19 = arith.constant 0 : index
    %swap3A_20 = arith.constant 0 : index
    %swap3A_21 = vector.load %arg4[%swap3A_17, %swap3A_18, %swap3A_19, %swap3A_20] : memref<2x9x1000x128xf32, #tpu.memory_space<vmem>>, vector<1x1x1000x128xf32>
    %swap3A_22 = vector.shape_cast %swap3A_21 : vector<1x1x1000x128xf32> to vector<1000x128xf32>
    %swap3A_23 = vector.shape_cast %slice3A_16 : vector<1000x128xf32> to vector<1x1x1000x128xf32>
    tpu.vector_store %arg4[%swap3A_17, %swap3A_18, %swap3A_19, %swap3A_20], %swap3A_23 {strides = array<i32>} : memref<2x9x1000x128xf32, #tpu.memory_space<vmem>>, vector<1x1x1000x128xf32>,
    %slice3A_24 = vector.extract_strided_slice %add3A_9 {offsets = [0, 512], sizes = [1000, 128], strides = [1, 1]} : vector<1000x2304xf32> to vector<1000x128xf32>
    %swap3A_25 = arith.constant 0 : index
    %swap3A_26 = arith.constant 2 : index
    %swap3A_27 = arith.constant 0 : index
    %swap3A_28 = arith.constant 0 : index
    %swap3A_29 = vector.load %arg4[%swap3A_25, %swap3A_26, %swap3A_27, %swap3A_28] : memref<2x9x1000x128xf32, #tpu.memory_space<vmem>>, vector<1x1x1000x128xf32>
    %swap3A_30 = vector.shape_cast %swap3A_29 : vector<1x1x1000x128xf32> to vector<1000x128xf32>
    %swap3A_31 = vector.shape_cast %slice3A_24 : vector<1000x128xf32> to vector<1x1x1000x128xf32>
    tpu.vector_store %arg4[%swap3A_25, %swap3A_26, %swap3A_27, %swap3A_28], %swap3A_31 {strides = array<i32>} : memref<2x9x1000x128xf32, #tpu.memory_space<vmem>>, vector<1x1x1000x128xf32>,
    %slice3A_32 = vector.extract_strided_slice %add3A_9 {offsets = [0, 768], sizes = [1000, 128], strides = [1, 1]} : vector<1000x2304xf32> to vector<1000x128xf32>
    %swap3A_33 = arith.constant 0 : index
    %swap3A_34 = arith.constant 3 : index
    %swap3A_35 = arith.constant 0 : index
    %swap3A_36 = arith.constant 0 : index
    %swap3A_37 = vector.load %arg4[%swap3A_33, %swap3A_34, %swap3A_35, %swap3A_36] : memref<2x9x1000x128xf32, #tpu.memory_space<vmem>>, vector<1x1x1000x128xf32>
    %swap3A_38 = vector.shape_cast %swap3A_37 : vector<1x1x1000x128xf32> to vector<1000x128xf32>
    %swap3A_39 = vector.shape_cast %slice3A_32 : vector<1000x128xf32> to vector<1x1x1000x128xf32>
    tpu.vector_store %arg4[%swap3A_33, %swap3A_34, %swap3A_35, %swap3A_36], %swap3A_39 {strides = array<i32>} : memref<2x9x1000x128xf32, #tpu.memory_space<vmem>>, vector<1x1x1000x128xf32>,
    %slice3A_40 = vector.extract_strided_slice %add3A_9 {offsets = [0, 1024], sizes = [1000, 128], strides = [1, 1]} : vector<1000x2304xf32> to vector<1000x128xf32>
    %swap3A_41 = arith.constant 0 : index
    %swap3A_42 = arith.constant 4 : index
    %swap3A_43 = arith.constant 0 : index
    %swap3A_44 = arith.constant 0 : index
    %swap3A_45 = vector.load %arg4[%swap3A_41, %swap3A_42, %swap3A_43, %swap3A_44] : memref<2x9x1000x128xf32, #tpu.memory_space<vmem>>, vector<1x1x1000x128xf32>
    %swap3A_46 = vector.shape_cast %swap3A_45 : vector<1x1x1000x128xf32> to vector<1000x128xf32>
    %swap3A_47 = vector.shape_cast %slice3A_40 : vector<1000x128xf32> to vector<1x1x1000x128xf32>
    tpu.vector_store %arg4[%swap3A_41, %swap3A_42, %swap3A_43, %swap3A_44], %swap3A_47 {strides = array<i32>} : memref<2x9x1000x128xf32, #tpu.memory_space<vmem>>, vector<1x1x1000x128xf32>,
    %slice3A_48 = vector.extract_strided_slice %add3A_9 {offsets = [0, 1280], sizes = [1000, 128], strides = [1, 1]} : vector<1000x2304xf32> to vector<1000x128xf32>
    %swap3A_49 = arith.constant 0 : index
    %swap3A_50 = arith.constant 5 : index
    %swap3A_51 = arith.constant 0 : index
    %swap3A_52 = arith.constant 0 : index
    %swap3A_53 = vector.load %arg4[%swap3A_49, %swap3A_50, %swap3A_51, %swap3A_52] : memref<2x9x1000x128xf32, #tpu.memory_space<vmem>>, vector<1x1x1000x128xf32>
    %swap3A_54 = vector.shape_cast %swap3A_53 : vector<1x1x1000x128xf32> to vector<1000x128xf32>
    %swap3A_55 = vector.shape_cast %slice3A_48 : vector<1000x128xf32> to vector<1x1x1000x128xf32>
    tpu.vector_store %arg4[%swap3A_49, %swap3A_50, %swap3A_51, %swap3A_52], %swap3A_55 {strides = array<i32>} : memref<2x9x1000x128xf32, #tpu.memory_space<vmem>>, vector<1x1x1000x128xf32>,
    %slice3A_56 = vector.extract_strided_slice %add3A_9 {offsets = [0, 1536], sizes = [1000, 128], strides = [1, 1]} : vector<1000x2304xf32> to vector<1000x128xf32>
    %swap3A_57 = arith.constant 0 : index
    %swap3A_58 = arith.constant 6 : index
    %swap3A_59 = arith.constant 0 : index
    %swap3A_60 = arith.constant 0 : index
    %swap3A_61 = vector.load %arg4[%swap3A_57, %swap3A_58, %swap3A_59, %swap3A_60] : memref<2x9x1000x128xf32, #tpu.memory_space<vmem>>, vector<1x1x1000x128xf32>
    %swap3A_62 = vector.shape_cast %swap3A_61 : vector<1x1x1000x128xf32> to vector<1000x128xf32>
    %swap3A_63 = vector.shape_cast %slice3A_56 : vector<1000x128xf32> to vector<1x1x1000x128xf32>
    tpu.vector_store %arg4[%swap3A_57, %swap3A_58, %swap3A_59, %swap3A_60], %swap3A_63 {strides = array<i32>} : memref<2x9x1000x128xf32, #tpu.memory_space<vmem>>, vector<1x1x1000x128xf32>,
    %slice3A_64 = vector.extract_strided_slice %add3A_9 {offsets = [0, 1792], sizes = [1000, 128], strides = [1, 1]} : vector<1000x2304xf32> to vector<1000x128xf32>
    %swap3A_65 = arith.constant 0 : index
    %swap3A_66 = arith.constant 7 : index
    %swap3A_67 = arith.constant 0 : index
    %swap3A_68 = arith.constant 0 : index
    %swap3A_69 = vector.load %arg4[%swap3A_65, %swap3A_66, %swap3A_67, %swap3A_68] : memref<2x9x1000x128xf32, #tpu.memory_space<vmem>>, vector<1x1x1000x128xf32>
    %swap3A_70 = vector.shape_cast %swap3A_69 : vector<1x1x1000x128xf32> to vector<1000x128xf32>
    %swap3A_71 = vector.shape_cast %slice3A_64 : vector<1000x128xf32> to vector<1x1x1000x128xf32>
    tpu.vector_store %arg4[%swap3A_65, %swap3A_66, %swap3A_67, %swap3A_68], %swap3A_71 {strides = array<i32>} : memref<2x9x1000x128xf32, #tpu.memory_space<vmem>>, vector<1x1x1000x128xf32>,
    %slice3A_72 = vector.extract_strided_slice %add3A_9 {offsets = [0, 2048], sizes = [1000, 128], strides = [1, 1]} : vector<1000x2304xf32> to vector<1000x128xf32>
    %swap3A_73 = arith.constant 0 : index
    %swap3A_74 = arith.constant 8 : index
    %swap3A_75 = arith.constant 0 : index
    %swap3A_76 = arith.constant 0 : index
    %swap3A_77 = vector.load %arg4[%swap3A_73, %swap3A_74, %swap3A_75, %swap3A_76] : memref<2x9x1000x128xf32, #tpu.memory_space<vmem>>, vector<1x1x1000x128xf32>
    %swap3A_78 = vector.shape_cast %swap3A_77 : vector<1x1x1000x128xf32> to vector<1000x128xf32>
    %swap3A_79 = vector.shape_cast %slice3A_72 : vector<1000x128xf32> to vector<1x1x1000x128xf32>
    tpu.vector_store %arg4[%swap3A_73, %swap3A_74, %swap3A_75, %swap3A_76], %swap3A_79 {strides = array<i32>} : memref<2x9x1000x128xf32, #tpu.memory_space<vmem>>, vector<1x1x1000x128xf32>,
    %slice3A_80 = vector.extract_strided_slice %add3A_9 {offsets = [0, 128], sizes = [1000, 128], strides = [1, 1]} : vector<1000x2304xf32> to vector<1000x128xf32>
    %swap3A_81 = arith.constant 1 : index
    %swap3A_82 = arith.constant 0 : index
    %swap3A_83 = arith.constant 0 : index
    %swap3A_84 = arith.constant 0 : index
    %swap3A_85 = vector.load %arg4[%swap3A_81, %swap3A_82, %swap3A_83, %swap3A_84] : memref<2x9x1000x128xf32, #tpu.memory_space<vmem>>, vector<1x1x1000x128xf32>
    %swap3A_86 = vector.shape_cast %swap3A_85 : vector<1x1x1000x128xf32> to vector<1000x128xf32>
    %swap3A_87 = vector.shape_cast %slice3A_80 : vector<1000x128xf32> to vector<1x1x1000x128xf32>
    tpu.vector_store %arg4[%swap3A_81, %swap3A_82, %swap3A_83, %swap3A_84], %swap3A_87 {strides = array<i32>} : memref<2x9x1000x128xf32, #tpu.memory_space<vmem>>, vector<1x1x1000x128xf32>,
    %slice3A_88 = vector.extract_strided_slice %add3A_9 {offsets = [0, 384], sizes = [1000, 128], strides = [1, 1]} : vector<1000x2304xf32> to vector<1000x128xf32>
    %swap3A_89 = arith.constant 1 : index
    %swap3A_90 = arith.constant 1 : index
    %swap3A_91 = arith.constant 0 : index
    %swap3A_92 = arith.constant 0 : index
    %swap3A_93 = vector.load %arg4[%swap3A_89, %swap3A_90, %swap3A_91, %swap3A_92] : memref<2x9x1000x128xf32, #tpu.memory_space<vmem>>, vector<1x1x1000x128xf32>
    %swap3A_94 = vector.shape_cast %swap3A_93 : vector<1x1x1000x128xf32> to vector<1000x128xf32>
    %swap3A_95 = vector.shape_cast %slice3A_88 : vector<1000x128xf32> to vector<1x1x1000x128xf32>
    tpu.vector_store %arg4[%swap3A_89, %swap3A_90, %swap3A_91, %swap3A_92], %swap3A_95 {strides = array<i32>} : memref<2x9x1000x128xf32, #tpu.memory_space<vmem>>, vector<1x1x1000x128xf32>,
    %slice3A_96 = vector.extract_strided_slice %add3A_9 {offsets = [0, 640], sizes = [1000, 128], strides = [1, 1]} : vector<1000x2304xf32> to vector<1000x128xf32>
    %swap3A_97 = arith.constant 1 : index
    %swap3A_98 = arith.constant 2 : index
    %swap3A_99 = arith.constant 0 : index
    %swap3A_100 = arith.constant 0 : index
    %swap3A_101 = vector.load %arg4[%swap3A_97, %swap3A_98, %swap3A_99, %swap3A_100] : memref<2x9x1000x128xf32, #tpu.memory_space<vmem>>, vector<1x1x1000x128xf32>
    %swap3A_102 = vector.shape_cast %swap3A_101 : vector<1x1x1000x128xf32> to vector<1000x128xf32>
    %swap3A_103 = vector.shape_cast %slice3A_96 : vector<1000x128xf32> to vector<1x1x1000x128xf32>
    tpu.vector_store %arg4[%swap3A_97, %swap3A_98, %swap3A_99, %swap3A_100], %swap3A_103 {strides = array<i32>} : memref<2x9x1000x128xf32, #tpu.memory_space<vmem>>, vector<1x1x1000x128xf32>,
    %slice3A_104 = vector.extract_strided_slice %add3A_9 {offsets = [0, 896], sizes = [1000, 128], strides = [1, 1]} : vector<1000x2304xf32> to vector<1000x128xf32>
    %swap3A_105 = arith.constant 1 : index
    %swap3A_106 = arith.constant 3 : index
    %swap3A_107 = arith.constant 0 : index
    %swap3A_108 = arith.constant 0 : index
    %swap3A_109 = vector.load %arg4[%swap3A_105, %swap3A_106, %swap3A_107, %swap3A_108] : memref<2x9x1000x128xf32, #tpu.memory_space<vmem>>, vector<1x1x1000x128xf32>
    %swap3A_110 = vector.shape_cast %swap3A_109 : vector<1x1x1000x128xf32> to vector<1000x128xf32>
    %swap3A_111 = vector.shape_cast %slice3A_104 : vector<1000x128xf32> to vector<1x1x1000x128xf32>
    tpu.vector_store %arg4[%swap3A_105, %swap3A_106, %swap3A_107, %swap3A_108], %swap3A_111 {strides = array<i32>} : memref<2x9x1000x128xf32, #tpu.memory_space<vmem>>, vector<1x1x1000x128xf32>,
    %slice3A_112 = vector.extract_strided_slice %add3A_9 {offsets = [0, 1152], sizes = [1000, 128], strides = [1, 1]} : vector<1000x2304xf32> to vector<1000x128xf32>
    %swap3A_113 = arith.constant 1 : index
    %swap3A_114 = arith.constant 4 : index
    %swap3A_115 = arith.constant 0 : index
    %swap3A_116 = arith.constant 0 : index
    %swap3A_117 = vector.load %arg4[%swap3A_113, %swap3A_114, %swap3A_115, %swap3A_116] : memref<2x9x1000x128xf32, #tpu.memory_space<vmem>>, vector<1x1x1000x128xf32>
    %swap3A_118 = vector.shape_cast %swap3A_117 : vector<1x1x1000x128xf32> to vector<1000x128xf32>
    %swap3A_119 = vector.shape_cast %slice3A_112 : vector<1000x128xf32> to vector<1x1x1000x128xf32>
    tpu.vector_store %arg4[%swap3A_113, %swap3A_114, %swap3A_115, %swap3A_116], %swap3A_119 {strides = array<i32>} : memref<2x9x1000x128xf32, #tpu.memory_space<vmem>>, vector<1x1x1000x128xf32>,
    %slice3A_120 = vector.extract_strided_slice %add3A_9 {offsets = [0, 1408], sizes = [1000, 128], strides = [1, 1]} : vector<1000x2304xf32> to vector<1000x128xf32>
    %swap3A_121 = arith.constant 1 : index
    %swap3A_122 = arith.constant 5 : index
    %swap3A_123 = arith.constant 0 : index
    %swap3A_124 = arith.constant 0 : index
    %swap3A_125 = vector.load %arg4[%swap3A_121, %swap3A_122, %swap3A_123, %swap3A_124] : memref<2x9x1000x128xf32, #tpu.memory_space<vmem>>, vector<1x1x1000x128xf32>
    %swap3A_126 = vector.shape_cast %swap3A_125 : vector<1x1x1000x128xf32> to vector<1000x128xf32>
    %swap3A_127 = vector.shape_cast %slice3A_120 : vector<1000x128xf32> to vector<1x1x1000x128xf32>
    tpu.vector_store %arg4[%swap3A_121, %swap3A_122, %swap3A_123, %swap3A_124], %swap3A_127 {strides = array<i32>} : memref<2x9x1000x128xf32, #tpu.memory_space<vmem>>, vector<1x1x1000x128xf32>,
    %slice3A_128 = vector.extract_strided_slice %add3A_9 {offsets = [0, 1664], sizes = [1000, 128], strides = [1, 1]} : vector<1000x2304xf32> to vector<1000x128xf32>
    %swap3A_129 = arith.constant 1 : index
    %swap3A_130 = arith.constant 6 : index
    %swap3A_131 = arith.constant 0 : index
    %swap3A_132 = arith.constant 0 : index
    %swap3A_133 = vector.load %arg4[%swap3A_129, %swap3A_130, %swap3A_131, %swap3A_132] : memref<2x9x1000x128xf32, #tpu.memory_space<vmem>>, vector<1x1x1000x128xf32>
    %swap3A_134 = vector.shape_cast %swap3A_133 : vector<1x1x1000x128xf32> to vector<1000x128xf32>
    %swap3A_135 = vector.shape_cast %slice3A_128 : vector<1000x128xf32> to vector<1x1x1000x128xf32>
    tpu.vector_store %arg4[%swap3A_129, %swap3A_130, %swap3A_131, %swap3A_132], %swap3A_135 {strides = array<i32>} : memref<2x9x1000x128xf32, #tpu.memory_space<vmem>>, vector<1x1x1000x128xf32>,
    %slice3A_136 = vector.extract_strided_slice %add3A_9 {offsets = [0, 1920], sizes = [1000, 128], strides = [1, 1]} : vector<1000x2304xf32> to vector<1000x128xf32>
    %swap3A_137 = arith.constant 1 : index
    %swap3A_138 = arith.constant 7 : index
    %swap3A_139 = arith.constant 0 : index
    %swap3A_140 = arith.constant 0 : index
    %swap3A_141 = vector.load %arg4[%swap3A_137, %swap3A_138, %swap3A_139, %swap3A_140] : memref<2x9x1000x128xf32, #tpu.memory_space<vmem>>, vector<1x1x1000x128xf32>
    %swap3A_142 = vector.shape_cast %swap3A_141 : vector<1x1x1000x128xf32> to vector<1000x128xf32>
    %swap3A_143 = vector.shape_cast %slice3A_136 : vector<1000x128xf32> to vector<1x1x1000x128xf32>
    tpu.vector_store %arg4[%swap3A_137, %swap3A_138, %swap3A_139, %swap3A_140], %swap3A_143 {strides = array<i32>} : memref<2x9x1000x128xf32, #tpu.memory_space<vmem>>, vector<1x1x1000x128xf32>,
    %slice3A_144 = vector.extract_strided_slice %add3A_9 {offsets = [0, 2176], sizes = [1000, 128], strides = [1, 1]} : vector<1000x2304xf32> to vector<1000x128xf32>
    %swap3A_145 = arith.constant 1 : index
    %swap3A_146 = arith.constant 8 : index
    %swap3A_147 = arith.constant 0 : index
    %swap3A_148 = arith.constant 0 : index
    %swap3A_149 = vector.load %arg4[%swap3A_145, %swap3A_146, %swap3A_147, %swap3A_148] : memref<2x9x1000x128xf32, #tpu.memory_space<vmem>>, vector<1x1x1000x128xf32>
    %swap3A_150 = vector.shape_cast %swap3A_149 : vector<1x1x1000x128xf32> to vector<1000x128xf32>
    %swap3A_151 = vector.shape_cast %slice3A_144 : vector<1000x128xf32> to vector<1x1x1000x128xf32>
    tpu.vector_store %arg4[%swap3A_145, %swap3A_146, %swap3A_147, %swap3A_148], %swap3A_151 {strides = array<i32>} : memref<2x9x1000x128xf32, #tpu.memory_space<vmem>>, vector<1x1x1000x128xf32>,
    return
  }
  func.func @transform_0(%arg0: i32) -> (i32, i32) {
    %c0_i32 = arith.constant 0 : i32
    %c0_i32_0 = arith.constant 0 : i32
    return %arg0, %c0_i32 : i32, i32
  }
  func.func @transform_1(%arg0: i32) -> (i32, i32) {
    %c0_i32 = arith.constant 0 : i32
    %c0_i32_0 = arith.constant 0 : i32
    %c0_i32_1 = arith.constant 0 : i32
    return %c0_i32, %c0_i32_0 : i32, i32
  }
  func.func @transform_2(%arg0: i32) -> (i32, i32) {
    %c0_i32 = arith.constant 0 : i32
    %c0_i32_0 = arith.constant 0 : i32
    %c0_i32_1 = arith.constant 0 : i32
    return %c0_i32, %c0_i32_0 : i32, i32
  }
  func.func @transform_3(%arg0: i32) -> (i32, i32, i32, i32) {
    %c0_i32 = arith.constant 0 : i32
    %c0_i32_0 = arith.constant 0 : i32
    %c0_i32_1 = arith.constant 0 : i32
    %c0_i32_2 = arith.constant 0 : i32
    return %c0_i32, %c0_i32_0, %arg0, %c0_i32_1 : i32, i32, i32, i32
  }
}

</mosaic_0001>

<sc_bundles>
// kernel: kernel.6.cloned.1.call-start
scs
__scs_entry_jumppad:
0x0: {  	(pc) =	sbr.rel $0x88, $3  }
0x1: {  	(tag) =	ssettag $0x0;
	lr =	simm.s32 $0x1  }
0x2: {  	[smem:$0x3F98] =	sst lr;
	_ =	strace $0xD0000000  }
0x3: {  	_ = 	snop  }
0x4: {  	_ = 	snop  }
0x5: {  	_ = 	snop  }
0x6: {  	_ = 	snop  }
0x7: {  	_ = 	snop  }
__scs_overlays_trampoline_lowered:
0x8: {  	[smem:$0x3FA7] =	sst s0  }
0x9: {  	[smem:$0x3FA8] =	sst s1  }
0xa: {  	[smem:$0x3FA9] =	sst s2  }
0xb: {  	[smem:$0x3FAA] =	sst s3  }
0xc: {  	[smem:$0x3FAB] =	sst s4  }
0xd: {  	[smem:$0x3FAC] =	sst s5  }
0xe: {  	[smem:$0x3FAD] =	sst s6  }
0xf: {  	[smem:$0x3FAE] =	sst s7  }
0x10: {  	[smem:$0x3FAF] =	sst s8  }
0x11: {  	[smem:$0x3FB0] =	sst s9;
	s0 =	simm.s32 @!p0 $0x0  }
0x12: {  	s1 =	sld [smem:$0x3F96];
	s0 =	simm.s32 @p0 $0x1  }
0x13: {  	[smem:$0x3FB1] =	sst s0;
	s0 =	simm.s32 @!p1 $0x0  }
0x14: {  	s2 =	sld [smem:$0x3F95];
	s0 =	simm.s32 @p1 $0x1  }
0x15: {  	[smem:$0x3FB2] =	sst s0;
	s0 =	simm.s32 @!p2 $0x0  }
0x16: {  	s3 =	sld [smem:$0x3FDB];
	s0 =	simm.s32 @p2 $0x1  }
0x17: {  	s4 =	simm.s32 $0x1BF5;
	[smem:$0x3FB4] =	sst s0  }
0x18: {  	s0 =	sld [smem:$0x3F97];
	_ =	swait.ge [sflag:s4], $0x0  }
0x19: {  	s7 =	sld [smem:$0x3F98]  }
0x1a: {  	s8 =	sadd.s32 $0xFFFFE003, lr  }
0x1b: {  	s9 =	sadd.s32 $0xFFFFFEF7, lr;
	s5 =	simm.s32 $0xFFFFFFFF;
	p2 =	slt.u32 s8, $0xFFFFF086  }
0x1c: {  	p1 =	slt.u32 s9, $0xF7A;
	s5 =	simm.s32 @!p2 $0x0  }
0x1d: {  	s5 =	simm.s32 @p1 $0x1;
	p0 =	seq.s32 s7, s2  }
0x1e: {  	s7 =	smul.u32 @!p0 $0xF7A, s2;
	p2 =	seq.s32 @!p0 s5, $0x0  }
0x1f: {  	s9 =	smul.u32 $0xF7A, s1;
	s8 =	simm.s32 @!p0 $0x1BF5;
	p2 =	por !p2, p0  }
0x20: {  	[sflag:s8] =	ssyncset.s32 @!p0 $0xFFFFF086;
	s6 =	sadd.s32 @!p0 s3, s7;
	s7 =	simm.s32 @!p0 $0x108  }
0x21: {  	s3 =	sadd.s32 s3, s9;
	s6 =	sadd.s32 @!p0 $0x88, s6;
	s7 =	simm.s32 @p2 $0x1082  }
0x22: {  	[simem:s7], [sflag:s8] =	dma.local @!p0 [hbm:s6], $0xF7A  }
0x23: {  	s9 =	sor.u32 $0xD0000000, s2;
	s6 =	simm.s32 $0x108;
	_ =	swait.ge @!p0 [sflag:s8], $0x0  }
0x24: {  	s3 =	sadd.s32 $0x88, s3;
	s6 =	simm.s32 @!p1 $0x1082;
	[sflag:s4] =	ssyncset.s32 $0xFFFFF086  }
0x25: {  	[simem:s6], [sflag:s4] =	dma.local [hbm:s3], $0xF7A  }
0x26: {  	[smem:$0x3F98] =	sst s1;
	(tag) =	ssettag s2;
	_ =	strace s9  }
0x27: {  	s1 =	sld [smem:$0x3FA8]  }
0x28: {  	s2 =	sld [smem:$0x3FA9]  }
0x29: {  	s4 =	sld [smem:$0x3FAB]  }
0x2a: {  	p0 =	seq.s32 s5, $0x0;
	s5 =	sld [smem:$0x3FAC]  }
0x2b: {  	s6 =	sld [smem:$0x3FAD]  }
0x2c: {  	s7 =	sld [smem:$0x3FAE]  }
0x2d: {  	s3 =	simm.s32 $0x108;
	s8 =	sld [smem:$0x3FAF]  }
0x2e: {  	s3 =	simm.s32 @!p0 $0x1082;
	s9 =	sld [smem:$0x3FB0]  }
0x2f: {  	lr =	sadd.s32 s0, s3;
	s0 =	sld [smem:$0x3FA7]  }
0x30: {  	s3 =	sld [smem:$0x3FAA]  }
0x31: {  	[smem:$0x3FB3] =	sst s10  }
0x32: {  	s10 =	sld [smem:$0x3FB1];
	_ =	sdelay $0x3  }
0x33: {  	p0 =	seq.s32 s10, $0x1;
	s10 =	sld [smem:$0x3FB3];
	_ =	sdelay $0x3  }
0x34: {  	[smem:$0x3FB3] =	sst s10  }
0x35: {  	s10 =	sld [smem:$0x3FB2];
	_ =	sdelay $0x3  }
0x36: {  	p1 =	seq.s32 s10, $0x1;
	s10 =	sld [smem:$0x3FB3];
	_ =	sdelay $0x3  }
0x37: {  	[smem:$0x3FB3] =	sst s10  }
0x38: {  	s10 =	sld [smem:$0x3FB4]  }
0x39: {  	_ = 	snop;
	(pc) =	sbr.ind lr, $3  }
0x3a: {  	_ = 	snop  }
0x3b: {  	_ = 	snop  }
0x3c: {  	p2 =	seq.s32 s10, $0x1;
	s10 =	sld [smem:$0x3FB3]  }
0x3d: {  	_ =	shalt  }
0x3e: {  	_ =	shalt  }
0x3f: {  	_ =	shalt  }
0x40: {  	_ =	shalt  }
0x41: {  	_ =	shalt  }
0x42: {  	_ =	shalt  }
0x43: {  	_ =	shalt  }
0x44: {  	_ =	shalt  }
0x45: {  	_ =	shalt  }
0x46: {  	_ =	shalt  }
0x47: {  	_ =	shalt  }
0x48: {  	_ =	shalt  }
0x49: {  	_ =	shalt  }
0x4a: {  	_ =	shalt  }
0x4b: {  	_ =	shalt  }
0x4c: {  	_ =	shalt  }
0x4d: {  	_ =	shalt  }
0x4e: {  	_ =	shalt  }
0x4f: {  	_ =	shalt  }
0x50: {  	_ =	shalt  }
0x51: {  	_ =	shalt  }
0x52: {  	_ =	shalt  }
0x53: {  	_ =	shalt  }
0x54: {  	_ =	shalt  }
0x55: {  	_ =	shalt  }
0x56: {  	_ =	shalt  }
0x57: {  	_ =	shalt  }
0x58: {  	_ =	shalt  }
0x59: {  	_ =	shalt  }
0x5a: {  	_ =	shalt  }
0x5b: {  	_ =	shalt  }
0x5c: {  	_ =	shalt  }
0x5d: {  	_ =	shalt  }
0x5e: {  	_ =	shalt  }
0x5f: {  	_ =	shalt  }
0x60: {  	_ =	shalt  }
0x61: {  	_ =	shalt  }
0x62: {  	_ =	shalt  }
0x63: {  	_ =	shalt  }
0x64: {  	_ =	shalt  }
0x65: {  	_ =	shalt  }
0x66: {  	_ =	shalt  }
0x67: {  	_ =	shalt  }
0x68: {  	_ =	shalt  }
0x69: {  	_ =	shalt  }
0x6a: {  	_ =	shalt  }
0x6b: {  	_ =	shalt  }
0x6c: {  	_ =	shalt  }
0x6d: {  	_ =	shalt  }
0x6e: {  	_ =	shalt  }
0x6f: {  	_ =	shalt  }
0x70: {  	_ =	shalt  }
0x71: {  	_ =	shalt  }
0x72: {  	_ =	shalt  }
0x73: {  	_ =	shalt  }
0x74: {  	_ =	shalt  }
0x75: {  	_ =	shalt  }
0x76: {  	_ =	shalt  }
0x77: {  	_ =	shalt  }
0x78: {  	_ =	shalt  }
0x79: {  	_ =	shalt  }
0x7a: {  	_ =	shalt  }
0x7b: {  	_ =	shalt  }
0x7c: {  	_ =	shalt  }
0x7d: {  	_ =	shalt  }
0x7e: {  	_ =	shalt  }
0x7f: {  	_ =	shalt  }
0x80: {  	_ =	shalt  }
0x81: {  	_ =	shalt  }
0x82: {  	_ =	shalt  }
0x83: {  	_ =	shalt  }
0x84: {  	_ =	shalt  }
0x85: {  	_ =	shalt  }
0x86: {  	_ =	shalt  }
0x87: {  	_ =	shalt  }
.Lfunc_end0:
.L_simem_size_0:
called_computation_lowered:
.L_overlay_start_0:
0x88: {  	s2 =	sld [smem:$0x3FD9]  }
0x89: {  	s3 =	sld [smem:$0x3FFE];
	_ =	sdelay $0x1  }
0x8a: {  	s1 =	srdreg.scid  }
0x8b: {  	s0 =	sand.u32 $0x1, s1  }
0x8c: {  	s17 =	sshll.u32 s0, $0xA;
	s2 =	sadd.s32 s3, s2  }
0x8d: {  	s2 =	sadd.s32 s2, s17  }
0x8e: {  	[smem:$0x3FBF] =	sst s2  }
0x8f: {  	_ = 	snop  }
0x90: {  	s2 =	sld [smem:$0x3FD0];
	(tm) =	ssettm $0x1  }
0x91: {  	s18 =	sld [smem:$0x3FFB];
	_ =	sdelay $0x3  }
0x92: {  	_ =	strace s18  }
0x93: {  	s3 =	sld [smem:$0x3FFC];
	_ =	sdelay $0x3  }
0x94: {  	_ =	strace s3  }
0x95: {  	s3 =	sld [smem:$0x3FFD];
	_ =	sdelay $0x3  }
0x96: {  	_ =	strace s3  }
0x97: {  	_ =	strace $0x8FFFFFFF  }
0x98: {  	s19 =	sld [smem:$0x3FDB];
	_ =	sdelay $0x1  }
0x99: {  	s4 =	simm.s32 $_scs_section_size  }
0x9a: {  	s5 =	simm.s32 $_size__tile_overlayer_lowered;
	s6 =	simm.s32 $_tile_overlayer_lowered  }
0x9b: {  	s22 =	simm.s32 $0x1BFF;
	s21 =	sshll.u32 s6, $0x1;
	s3 =	sadd.s32 s4, s19  }
0x9c: {  	s7 =	simm.s32 $0x0;
	s20 =	sshll.u32 s5, $0x1;
	s5 =	sadd.s32 s21, s3  }
0x9d: {  	[timem:s7], [sflag:s22] =	dma.local [hbm:s5], s20  }
0x9e: {  	_ =	swait.ge [sflag:s22], s20  }
0x9f: {  	s4 =	ssub.s32 $0x0, s20;
	[sflag:s22] =	ssyncset.done $0x0  }
0xa0: {  	[sflag:s22] =	ssyncadd.s32 s4;
	_ =	sdelay $0x1  }
0xa1: {  	s23 =	simm.s32 $0x1B8B  }
0xa2: {  	_ =	swait.ge [sflag:s23], $0x1  }
0xa3: {  	[sflag:s23] =	ssyncset.done $0x0  }
0xa4: {  	s25 =	simm.s32 $0x1B8E;
	s24 =	sld [smem:$0x3FFE];
	[sflag:s23] =	ssyncadd.s32 $0xFFFFFFFF  }
0xa5: {  	s26 =	simm.s32 $execute0_lowered;
	[smem:$0x3FD2] =	sst s25  }
0xa6: {  	s5 =	sshll.u32 s26, $0x1;
	_ =	strace $0x80000046;
	[dreg:$0x1] =	wrdreg $0xFFFFFFFF  }
0xa7: {  	s28 =	simm.s32 $_size_execute0_lowered;
	s3 =	sadd.s32 s3, s5;
	[dreg:$0x0] =	wrdreg $0x0  }
0xa8: {  	s5 =	sshll.u32 s28, $0x1;
	[dreg:$0x2] =	wrdreg s3  }
0xa9: {  	[dreg:$0x3] =	wrdreg s5  }
0xaa: {  	[dreg:$0x4] =	wrdreg $0xC0  }
0xab: {  	_ =	task [dreg:s7], $0x5FFFF  }
0xac: {  	[dreg:$0x1] =	wrdreg $0xFFFFFFFF  }
0xad: {  	[dreg:$0x0] =	wrdreg $0x60  }
0xae: {  	[dreg:$0x2] =	wrdreg s24  }
0xaf: {  	[dreg:$0x3] =	wrdreg s2  }
0xb0: {  	[dreg:$0x4] =	wrdreg $0x0  }
0xb1: {  	[dreg:$0x5] =	wrdreg $0x9  }
0xb2: {  	_ =	task.clear_ibuf [dreg:s7], $0x6FFFF;
	_ =	strace $0x90000046  }
0xb3: {  	s29 =	simm.s32 $0x9;
	_ =	strace $0x80000048  }
0xb4: {  	_ =	swait.ge [sflag:s29], $0x1  }
0xb5: {  	[sflag:s29] =	ssyncadd.s32 $0xFFFFFFFF  }
0xb6: {  	_ =	strace $0x90000048  }
0xb7: {  	_ =	sfence  }
0xb8: {  	s30 =	sld [smem:$0x0];
	_ =	sdelay $0x2  }
0xb9: {  	s31 =	sshll.u32 s1, $0xD;
	s1 =	sshrl.u32 s1, $0x2  }
0xba: {  	s3 =	sand.u32 $0x4000, s31;
	s1 =	sadd.s32 s1, s30  }
0xbb: {  	s0 =	sor.u32 s3, s0;
	s1 =	sshll.u32 s1, $0x11  }
0xbc: {  	s0 =	sor.u32 s1, s0  }
0xbd: {  	s0 =	sadd.s32 $0x8F2B, s0  }
0xbe: {  	[sflag:s0] =	ssyncadd.remote.s32 $0x1  }
0xbf: {  	_ =	sfence.sel $0xFFFF  }
0xc0: {  	[dreg:$0x0] =	wrdreg $0xFFFFFFFF;
	(pc) =	sbr.abs _section_cstart, $3  }
0xc1: {  	[dreg:$0x1] =	wrdreg $0xFFFFFFFF  }
0xc2: {  	_ =	task.clear_ibuf [dreg:s7], $0x2FFFF;
	_ =	strace $0x9FFFFFFF  }
0xc3: {  	(tm) =	ssettm $0x7FFFFFFF  }
tec
execute0_lowered:
.L_overlay_start_1:
0x0: {  	(tag) =	ssettag $0x1  }
0x1: {  	s5 =	rddreg [dreg:$0x0]  }
0x2: {  	s13 =	rddreg [dreg:$0x1]  }
0x3: {  	s2 =	rddreg [dreg:$0x2];
	s3 =	simm.s32 $0x0;
	s1 =	stileid.u32  }
0x4: {  	s4 =	srdreg.scid;
	s18 =	simm.s32 $0x16100;
	s19 =	simm.s32 $0x2  }
0x5: {  	s20 =	simm.s32 $0x13900;
	s21 =	simm.s32 $0x80;
	s22 =	simm.s32 $0x18900  }
0x6: {  	s23 =	simm.s32 $0x1;
	s28 =	simm.s32 $0x0;
	s6 =	smul.u32 $0x500, s1  }
0x7: {  	[smem:$0x7FF] =	sst s3;
	s11 =	sand.u32 $0x1, s4;
	s26 =	smul.u32 $0x278, s1  }
0x8: {  	s4 =	sadd.s32 $0xB200, s5;
	p0 =	seq.s32 s1, $0xF;
	s29 =	smul.u32 $0x4F000, s1  }
0x9: {  	p4 =	sne.s32 s1, $0xF;
	s12 =	smul.u32 $0x4F00, s1;
	s24 =	sadd.s32 $0x4A100, s13  }
0xa: {  	_ =	strace $0x80000047;
	s7 =	ssub.s32 $0x2, s11;
	s8 =	smul.u32 $0xAFC800, s11  }
0xb: {  	s25 =	smul.u32 $0x15F90, s11;
	p2 =	seq.s32 s11, $0x0;
	s16 =	sshll.u32 @!p0 s1, $0x6  }
0xc: {  	s9 =	sshrl.u32 s7, $0x1;
	s10 =	sadd.s32 s6, s5;
	s5 =	sadd.s32 $0x128400, s2  }
0xd: {  	p1 =	por !p2, !p4;
	p3 =	por !p2, !p0;
	p2 =	seq.s32 s11, $0x1  }
0xe: {  	s11 =	sadd.s32 s13, s12;
	s13 =	sadd.s32 $0x4A180, s13;
	s16 =	sor.u32 @!p0 $0x1C02, s16  }
0xf: {  	s14 =	ssub.s32 s7, s9;
	s8 =	sshrl.u32 s8, $0x3;
	s6 =	sadd.s32 s26, s25  }
0x10: {  	s7 =	sshrl.u32 s29, $0x2;
	s9 =	sadd.s32 $0x1200, s10;
	s10 =	sadd.s32 $0x6200, s10  }
0x11: {  	p1 =	por !p1, !p1;
	p3 =	por !p3, !p3;
	p4 =	por !p4, !p2  }
0x12: {  	s12 =	sadd.s32 $0x80, s11;
	s15 =	sshrl.u32 @p0 s5, $0x3;
	v0 =	vmov s25;
	s25 =	simm.s32 $0x100  }
0x13: {  	s26 =	simm.s32 $0x1FC2;
	s8 =	sadd.s32 s4, s8;
	s30 =	sshll.u32 s6, $0x4  }
0x14: {  	s7 =	sadd.s32 s7, s2;
	p4 =	por !p4, !p4;
	s14 =	smax.u32 s14, $0x1  }
0x15: {  	s13 =	smov.u32 @p3 s24;
	s6 =	sadd.s32 $0x15D880, s8;
	s31 =	sadd.s32 s4, s30  }
0x16: {  	s17 =	sshrl.u32 @!p0 s7, $0x3;
	p4 =	por !p4, p3;
	s8 =	sadd.s32 $0x138800, s31  }
.LBB2_1:
0x17: {  	s29 =	simm.s32 @p0 $0x1FC2  }
0x18: {  	[spmem:s15], [sflag:s29] =	dma.local @p0 [hbm:s6], $0x2080  }
0x19: {  	s29 =	simm.s32 @p0 $0x2  }
0x1a: {  	_ =	swait.ge @p0 [sflag:s29], $0x2080  }
0x1b: {  	[sflag:s29] =	ssyncset.done @p0 $0x0  }
0x1c: {  	[sflag:s29] =	ssyncadd.s32 @p0 $0xFFFFDF80;
	s29 =	simm.s32 @!p0 $0x2  }
0x1d: {  	[spmem:s17], [sflag:s16] =	dma.local @!p0 [hbm:s8], $0x2780  }
0x1e: {  	_ =	swait.ge @!p0 [sflag:s29], $0x2780  }
0x1f: {  	[sflag:s29] =	ssyncset.done @!p0 $0x0  }
0x20: {  	[sflag:s29] =	ssyncadd.s32 @!p0 $0xFFFFD880  }
0x21: {  	[tilespmem:s18], [sflag:$0x2] =	stream.linear.gather [hbm4b:s9+s3], $0x2780, $0x38;
	[tilespmem:$0x1C900] =	vst v63  }
0x22: {  	_ =	swait.ge [sflag:s19], $0x2780  }
0x23: {  	[sflag:s19] =	ssyncset.done $0x0  }
0x24: {  	[sflag:s19] =	ssyncadd.s32 $0xFFFFD880  }
0x25: {  	[tilespmem:s20], [sflag:$0x2] =	stream.linear.gather [hbm4b:s10+s3], $0x2780, $0x38;
	[tilespmem:$0x1C900] =	vst v63  }
0x26: {  	_ =	swait.ge [sflag:s19], $0x2780  }
0x27: {  	[sflag:s19] =	ssyncset.done $0x0  }
0x28: {  	s29 =	simm.s32 $0x0;
	[sflag:s19] =	ssyncadd.s32 $0xFFFFD880  }
0x29: {  	v3 =	vld [tilespmem:s29+$0x16100]  }
0x2a: {  	v5 =	vld [tilespmem:s29+$0x16110]  }
0x2b: {  	v4 =	vld [tilespmem:s29+$0x16120]  }
0x2c: {  	v2 =	vld [tilespmem:s29+$0x16130]  }
0x2d: {  	v1 =	vld [tilespmem:s29+$0x16140]  }
0x2e: {  	v6 =	vadd.s32 v0, v3;
	v3 =	vld [tilespmem:s29+$0x16150]  }
0x2f: {  	s30 =	simm.s32 $0x200;
	[tilespmem:s29+$0x16100] =	vst v6;
	v6 =	vadd.s32 v0, v5;
	v5 =	vld [tilespmem:s29+$0x16160]  }
.LBB2_2:
0x30: {  	s31 =	sshra.s32 s30, $0x2;
	p5 =	sne.s32 s30, $0x9C00;
	[tilespmem:s29+$0x16110] =	vst v6;
	v4 =	vadd.s32 v0, v4;
	v6 =	vld [tilespmem:s29+$0x16170]  }
0x31: {  	v7 =	vld [tilespmem:s31+$0x16100];
	[tilespmem:s29+$0x16120] =	vst v4;
	v2 =	vadd.s32 v0, v2  }
0x32: {  	v8 =	vld [tilespmem:s31+$0x16110];
	[tilespmem:s29+$0x16130] =	vst v2;
	v1 =	vadd.s32 v0, v1  }
.Ltmp0:
0x33: {  	v4 =	vld [tilespmem:s31+$0x16120];
	[tilespmem:s29+$0x16140] =	vst v1;
	v1 =	vadd.s32 v0, v3;
	(pc) =	sbr.rel @p5 .LBB2_2-.Ltmp0, $4  }
0x34: {  	v2 =	vld [tilespmem:s31+$0x16130];
	[tilespmem:s29+$0x16150] =	vst v1;
	v3 =	vadd.s32 v0, v5  }
0x35: {  	v1 =	vld [tilespmem:s31+$0x16140];
	[tilespmem:s29+$0x16160] =	vst v3;
	v5 =	vadd.s32 v0, v6  }
0x36: {  	v6 =	vadd.s32 v0, v7;
	v3 =	vld [tilespmem:s31+$0x16150];
	[tilespmem:s29+$0x16170] =	vst v5;
	s29 =	smov.u32 s31  }
0x37: {  	s30 =	sadd.s32 $0x200, s30;
	[tilespmem:s29+$0x16100] =	vst v6;
	v6 =	vadd.s32 v0, v8;
	v5 =	vld [tilespmem:s29+$0x16160]  }
0x38: {  	[tilespmem:s29+$0x16110] =	vst v6;
	v4 =	vadd.s32 v0, v4;
	v63 =	vld [tilespmem:s29+$0x16170]  }
0x39: {  	[tilespmem:s29+$0x16120] =	vst v4;
	v2 =	vadd.s32 v0, v2  }
0x3a: {  	[tilespmem:s29+$0x16130] =	vst v2;
	v1 =	vadd.s32 v0, v1  }
0x3b: {  	[tilespmem:s29+$0x16140] =	vst v1;
	v1 =	vadd.s32 v0, v3  }
0x3c: {  	[tilespmem:s29+$0x16150] =	vst v1;
	v1 =	vadd.s32 v0, v5  }
0x3d: {  	[tilespmem:s29+$0x16160] =	vst v1;
	v1 =	vadd.s32 v0, v63  }
0x3e: {  	[tilespmem:s29+$0x16170] =	vst v1  }
0x3f: {  	s29 =	simm.s32 $0x16100;
	[bflag:$0x0] =	sbarrier.arrive $0xFFFF  }
0x40: {  	[tilespmem:s22], [sflag:$0x1] =	stream.indirect.gather [hbm4b:s4+s21], $0x80, s29, s21, $0xb8;
	[tilespmem:$0x1C900] =	vst v63  }
0x41: {  	_ =	swait.ge [sflag:s23], $0x4000  }
0x42: {  	[sflag:s23] =	ssyncset.done $0x0  }
0x43: {  	s29 =	simm.s32 $0x13900;
	[sflag:s23] =	ssyncadd.s32 $0xFFFFC000  }
0x44: {  	[spmem:s2] =	stream.indirect.scatter.add.f32 [tilespmem:s22], [sflag:$0x2], $0x80, s29, s21, $0xb8;
	[tilespmem:$0x1C900] =	vst v63  }
0x45: {  	_ =	swait.ge [sflag:s19], $0x4000  }
0x46: {  	s30 =	simm.s32 $0x400;
	s29 =	simm.s32 $0x80;
	[sflag:s19] =	ssyncset.done $0x0  }
.LBB2_4:
0x47: {  	s31 =	sadd.s32 $0x16100, s29  }
0x48: {  	[sflag:s19] =	ssyncadd.s32 $0xFFFFC000;
	s0 =	smov.u32 s30;
	s24 =	sadd.s32 $0x200, s30  }
0x49: {  	[tilespmem:s22], [sflag:$0x1] =	stream.indirect.gather [hbm4b:s4+s21], $0x80, s31, s21, $0xb8;
	[tilespmem:$0x1C900] =	vst v63  }
0x4a: {  	p5 =	sne.s32 s30, $0x9C00;
	_ =	swait.ge [sflag:s23], $0x4000  }
.Ltmp1:
0x4b: {  	[sflag:s23] =	ssyncset.done $0x0;
	(pc) =	sbr.rel @p5 .LBB2_4-.Ltmp1, $4  }
0x4c: {  	s29 =	sadd.s32 $0x13900, s29;
	[sflag:s23] =	ssyncadd.s32 $0xFFFFC000  }
0x4d: {  	[spmem:s2] =	stream.indirect.scatter.add.f32 [tilespmem:s22], [sflag:$0x2], $0x80, s29, s21, $0xb8;
	[tilespmem:$0x1C900] =	vst v63  }
0x4e: {  	_ =	swait.ge [sflag:s19], $0x4000  }
0x4f: {  	s30 =	smov.u32 s24;
	s29 =	sshra.s32 s0, $0x2;
	[sflag:s19] =	ssyncset.done $0x0  }
0x50: {  	s0 =	sadd.s32 $0x16100, s29;
	[sflag:s19] =	ssyncadd.s32 $0xFFFFC000  }
0x51: {  	[tilespmem:s22], [sflag:$0x1] =	stream.indirect.gather [hbm4b:s4+s21], $0x80, s0, s21, $0xb8;
	[tilespmem:$0x1C900] =	vst v63  }
0x52: {  	_ =	swait.ge [sflag:s23], $0x4000  }
0x53: {  	[sflag:s23] =	ssyncset.done $0x0  }
0x54: {  	s31 =	sadd.s32 $0x13900, s29;
	[sflag:s23] =	ssyncadd.s32 $0xFFFFC000  }
0x55: {  	[spmem:s2] =	stream.indirect.scatter.add.f32 [tilespmem:s22], [sflag:$0x2], $0x80, s31, s21, $0xb8;
	[tilespmem:$0x1C900] =	vst v63  }
0x56: {  	s24 =	sshrl.u32 @p1 s7, $0x3;
	s29 =	simm.s32 @p1 $0x8;
	_ =	swait.ge [sflag:s19], $0x4000  }
0x57: {  	s30 =	simm.s32 @p1 $0x100;
	p5 =	por @!p4 $0x1, $0x1;
	[sflag:s19] =	ssyncset.done $0x0  }
0x58: {  	p6 =	por p2, p2;
	s0 =	sshll.u32 @p1 s1, $0x6;
	[sflag:s19] =	ssyncadd.s32 $0xFFFFC000  }
0x59: {  	s0 =	sor.u32 @p1 $0x1C02, s0;
	s31 =	simm.s32 @p1 $0x80;
	[bflag:$0x0] =	sbarrier.arrive $0xFFFF  }
0x5a: {  	[hbm:s11@s30], [sflag:s0] =	dma.strided @p1 [spmem:s24@s31], $0x2780, s29, $0x10   }
0x5b: {  	p6 =	por @!p4 p5, p5;
	s0 =	simm.s32 @p1 $0x2  }
0x5c: {  	s24 =	sshll.u32 @!p4 s1, $0x6;
	s29 =	simm.s32 @!p4 $0x8;
	_ =	swait.ge @p1 [sflag:s0], $0x2780  }
0x5d: {  	s30 =	simm.s32 @!p4 $0x100;
	s31 =	simm.s32 @!p4 $0x80;
	[sflag:s0] =	ssyncset.done @p1 $0x0  }
0x5e: {  	[sflag:s0] =	ssyncadd.s32 @p1 $0xFFFFD880;
	s0 =	sor.u32 @!p4 $0x1C02, s24;
	s24 =	sshrl.u32 @!p4 s7, $0x3  }
0x5f: {  	[hbm:s12@s30], [sflag:s0] =	dma.strided @!p4 [spmem:s24@s31], $0x2780, s29, $0x10   }
0x60: {  	p5 =	por @!p3 !p6, !p0;
	s0 =	simm.s32 @!p4 $0x2  }
0x61: {  	p5 =	por @!p3 !p5, !p5;
	_ =	swait.ge @!p4 [sflag:s0], $0x2780  }
0x62: {  	p5 =	por p3, p5;
	[sflag:s0] =	ssyncset.done @!p4 $0x0  }
0x63: {  	s24 =	simm.s32 @p5 $0x8;
	[sflag:s0] =	ssyncadd.s32 @!p4 $0xFFFFD880;
	s0 =	sshrl.u32 @p5 s5, $0x3  }
0x64: {  	[hbm:s13@s25], [sflag:s26] =	dma.strided @p5 [spmem:s0@s21], $0x2080, s24, $0x10   }
0x65: {  	_ =	swait.ge @p5 [sflag:s19], $0x2080  }
0x66: {  	s28 =	sadd.s32 $0x1, s28;
	[sflag:s19] =	ssyncset.done @p5 $0x0  }
0x67: {  	[sflag:s19] =	ssyncadd.s32 @p5 $0xFFFFDF80;
	p5 =	sne.s32 s28, s14  }
.Ltmp2:
0x68: {  	_ = 	snop;
	(pc) =	sbr.rel @p5 .LBB2_1-.Ltmp2, $1  }
0x69: {  	_ =	sdelay $0x3  }
0x6a: {  	_ =	sfence.sel $0x180000  }
0x6b: {  	[bflag:$0x0] =	sbarrier.arrive $0xFFFF  }
0x6c: {  	_ =	strace $0x90000047  }
0x6d: {  	[bflag:$0x2] =	sbarrier.arrive $0xFFFF  }
0x6e: {  	p0 =	sne.s32 s1, $0x0;
	s0 =	rddreg [dreg:$0x3]  }
0x6f: {  	s0 =	sadd.s32 @!p0 $0x100000, s0  }
0x70: {  	[sflag:s0] =	ssyncadd.tile.s32 @!p0 $0x1;
	_ =	shalt  }
.Lfunc_end2:
_tile_overlayer_lowered:
.L_overlay_start_2:
0x71: {  	(tag) =	ssettag $0x2  }
0x72: {  	s0 =	rddreg [dreg:$0x0];
	s2 =	stileid.u32  }
0x73: {  	s1 =	rddreg [dreg:$0x1];
	p0 =	sne.s32 s2, $0x0  }
0x74: {  	s3 =	rddreg [dreg:$0x2];
	[bflag:$0x3] =	sbarrier.arrive $0xFFFF;
	s2 =	simm.s32 @!p0 $0x1C02  }
0x75: {  	[timem:s3], [sflag:s2] =	dma.local @!p0 [hbm:s0], s1  }
0x76: {  	s0 =	simm.s32 @!p0 $0x2  }
0x77: {  	_ =	swait.ge @!p0 [sflag:s0], s1  }
0x78: {  	s1 =	ssub.s32 @!p0 $0x0, s1;
	[sflag:s0] =	ssyncset.done @!p0 $0x0  }
0x79: {  	[sflag:s0] =	ssyncadd.s32 @!p0 s1  }
0x7a: {  	[bflag:$0x3] =	sbarrier.arrive $0xFFFF  }
0x7b: {  	_ =	shalt  }

// kernel: kernel.9.cloned.1.call-start
scs
__scs_entry_jumppad:
0x0: {  	(pc) =	sbr.rel $0x88, $3  }
0x1: {  	(tag) =	ssettag $0x0;
	lr =	simm.s32 $0x1  }
0x2: {  	[smem:$0x3F98] =	sst lr;
	_ =	strace $0xD0000000  }
0x3: {  	_ = 	snop  }
0x4: {  	_ = 	snop  }
0x5: {  	_ = 	snop  }
0x6: {  	_ = 	snop  }
0x7: {  	_ = 	snop  }
__scs_overlays_trampoline_lowered:
0x8: {  	[smem:$0x3FA7] =	sst s0  }
0x9: {  	[smem:$0x3FA8] =	sst s1  }
0xa: {  	[smem:$0x3FA9] =	sst s2  }
0xb: {  	[smem:$0x3FAA] =	sst s3  }
0xc: {  	[smem:$0x3FAB] =	sst s4  }
0xd: {  	[smem:$0x3FAC] =	sst s5  }
0xe: {  	[smem:$0x3FAD] =	sst s6  }
0xf: {  	[smem:$0x3FAE] =	sst s7  }
0x10: {  	[smem:$0x3FAF] =	sst s8  }
0x11: {  	[smem:$0x3FB0] =	sst s9;
	s0 =	simm.s32 @!p0 $0x0  }
0x12: {  	s1 =	sld [smem:$0x3F96];
	s0 =	simm.s32 @p0 $0x1  }
0x13: {  	[smem:$0x3FB1] =	sst s0;
	s0 =	simm.s32 @!p1 $0x0  }
0x14: {  	s2 =	sld [smem:$0x3F95];
	s0 =	simm.s32 @p1 $0x1  }
0x15: {  	[smem:$0x3FB2] =	sst s0;
	s0 =	simm.s32 @!p2 $0x0  }
0x16: {  	s3 =	sld [smem:$0x3FDB];
	s0 =	simm.s32 @p2 $0x1  }
0x17: {  	s4 =	simm.s32 $0x1BF5;
	[smem:$0x3FB4] =	sst s0  }
0x18: {  	s0 =	sld [smem:$0x3F97];
	_ =	swait.ge [sflag:s4], $0x0  }
0x19: {  	s7 =	sld [smem:$0x3F98]  }
0x1a: {  	s8 =	sadd.s32 $0xFFFFE003, lr  }
0x1b: {  	s9 =	sadd.s32 $0xFFFFFEF7, lr;
	s5 =	simm.s32 $0xFFFFFFFF;
	p2 =	slt.u32 s8, $0xFFFFF086  }
0x1c: {  	p1 =	slt.u32 s9, $0xF7A;
	s5 =	simm.s32 @!p2 $0x0  }
0x1d: {  	s5 =	simm.s32 @p1 $0x1;
	p0 =	seq.s32 s7, s2  }
0x1e: {  	s7 =	smul.u32 @!p0 $0xF7A, s2;
	p2 =	seq.s32 @!p0 s5, $0x0  }
0x1f: {  	s9 =	smul.u32 $0xF7A, s1;
	s8 =	simm.s32 @!p0 $0x1BF5;
	p2 =	por !p2, p0  }
0x20: {  	[sflag:s8] =	ssyncset.s32 @!p0 $0xFFFFF086;
	s6 =	sadd.s32 @!p0 s3, s7;
	s7 =	simm.s32 @!p0 $0x108  }
0x21: {  	s3 =	sadd.s32 s3, s9;
	s6 =	sadd.s32 @!p0 $0x88, s6;
	s7 =	simm.s32 @p2 $0x1082  }
0x22: {  	[simem:s7], [sflag:s8] =	dma.local @!p0 [hbm:s6], $0xF7A  }
0x23: {  	s9 =	sor.u32 $0xD0000000, s2;
	s6 =	simm.s32 $0x108;
	_ =	swait.ge @!p0 [sflag:s8], $0x0  }
0x24: {  	s3 =	sadd.s32 $0x88, s3;
	s6 =	simm.s32 @!p1 $0x1082;
	[sflag:s4] =	ssyncset.s32 $0xFFFFF086  }
0x25: {  	[simem:s6], [sflag:s4] =	dma.local [hbm:s3], $0xF7A  }
0x26: {  	[smem:$0x3F98] =	sst s1;
	(tag) =	ssettag s2;
	_ =	strace s9  }
0x27: {  	s1 =	sld [smem:$0x3FA8]  }
0x28: {  	s2 =	sld [smem:$0x3FA9]  }
0x29: {  	s4 =	sld [smem:$0x3FAB]  }
0x2a: {  	p0 =	seq.s32 s5, $0x0;
	s5 =	sld [smem:$0x3FAC]  }
0x2b: {  	s6 =	sld [smem:$0x3FAD]  }
0x2c: {  	s7 =	sld [smem:$0x3FAE]  }
0x2d: {  	s3 =	simm.s32 $0x108;
	s8 =	sld [smem:$0x3FAF]  }
0x2e: {  	s3 =	simm.s32 @!p0 $0x1082;
	s9 =	sld [smem:$0x3FB0]  }
0x2f: {  	lr =	sadd.s32 s0, s3;
	s0 =	sld [smem:$0x3FA7]  }
0x30: {  	s3 =	sld [smem:$0x3FAA]  }
0x31: {  	[smem:$0x3FB3] =	sst s10  }
0x32: {  	s10 =	sld [smem:$0x3FB1];
	_ =	sdelay $0x3  }
0x33: {  	p0 =	seq.s32 s10, $0x1;
	s10 =	sld [smem:$0x3FB3];
	_ =	sdelay $0x3  }
0x34: {  	[smem:$0x3FB3] =	sst s10  }
0x35: {  	s10 =	sld [smem:$0x3FB2];
	_ =	sdelay $0x3  }
0x36: {  	p1 =	seq.s32 s10, $0x1;
	s10 =	sld [smem:$0x3FB3];
	_ =	sdelay $0x3  }
0x37: {  	[smem:$0x3FB3] =	sst s10  }
0x38: {  	s10 =	sld [smem:$0x3FB4]  }
0x39: {  	_ = 	snop;
	(pc) =	sbr.ind lr, $3  }
0x3a: {  	_ = 	snop  }
0x3b: {  	_ = 	snop  }
0x3c: {  	p2 =	seq.s32 s10, $0x1;
	s10 =	sld [smem:$0x3FB3]  }
0x3d: {  	_ =	shalt  }
0x3e: {  	_ =	shalt  }
0x3f: {  	_ =	shalt  }
0x40: {  	_ =	shalt  }
0x41: {  	_ =	shalt  }
0x42: {  	_ =	shalt  }
0x43: {  	_ =	shalt  }
0x44: {  	_ =	shalt  }
0x45: {  	_ =	shalt  }
0x46: {  	_ =	shalt  }
0x47: {  	_ =	shalt  }
0x48: {  	_ =	shalt  }
0x49: {  	_ =	shalt  }
0x4a: {  	_ =	shalt  }
0x4b: {  	_ =	shalt  }
0x4c: {  	_ =	shalt  }
0x4d: {  	_ =	shalt  }
0x4e: {  	_ =	shalt  }
0x4f: {  	_ =	shalt  }
0x50: {  	_ =	shalt  }
0x51: {  	_ =	shalt  }
0x52: {  	_ =	shalt  }
0x53: {  	_ =	shalt  }
0x54: {  	_ =	shalt  }
0x55: {  	_ =	shalt  }
0x56: {  	_ =	shalt  }
0x57: {  	_ =	shalt  }
0x58: {  	_ =	shalt  }
0x59: {  	_ =	shalt  }
0x5a: {  	_ =	shalt  }
0x5b: {  	_ =	shalt  }
0x5c: {  	_ =	shalt  }
0x5d: {  	_ =	shalt  }
0x5e: {  	_ =	shalt  }
0x5f: {  	_ =	shalt  }
0x60: {  	_ =	shalt  }
0x61: {  	_ =	shalt  }
0x62: {  	_ =	shalt  }
0x63: {  	_ =	shalt  }
0x64: {  	_ =	shalt  }
0x65: {  	_ =	shalt  }
0x66: {  	_ =	shalt  }
0x67: {  	_ =	shalt  }
0x68: {  	_ =	shalt  }
0x69: {  	_ =	shalt  }
0x6a: {  	_ =	shalt  }
0x6b: {  	_ =	shalt  }
0x6c: {  	_ =	shalt  }
0x6d: {  	_ =	shalt  }
0x6e: {  	_ =	shalt  }
0x6f: {  	_ =	shalt  }
0x70: {  	_ =	shalt  }
0x71: {  	_ =	shalt  }
0x72: {  	_ =	shalt  }
0x73: {  	_ =	shalt  }
0x74: {  	_ =	shalt  }
0x75: {  	_ =	shalt  }
0x76: {  	_ =	shalt  }
0x77: {  	_ =	shalt  }
0x78: {  	_ =	shalt  }
0x79: {  	_ =	shalt  }
0x7a: {  	_ =	shalt  }
0x7b: {  	_ =	shalt  }
0x7c: {  	_ =	shalt  }
0x7d: {  	_ =	shalt  }
0x7e: {  	_ =	shalt  }
0x7f: {  	_ =	shalt  }
0x80: {  	_ =	shalt  }
0x81: {  	_ =	shalt  }
0x82: {  	_ =	shalt  }
0x83: {  	_ =	shalt  }
0x84: {  	_ =	shalt  }
0x85: {  	_ =	shalt  }
0x86: {  	_ =	shalt  }
0x87: {  	_ =	shalt  }
.Lfunc_end0:
.L_simem_size_0:
called_computation.1_lowered:
.L_overlay_start_0:
0x88: {  	s2 =	sld [smem:$0x3FD9]  }
0x89: {  	s3 =	sld [smem:$0x3FFE];
	_ =	sdelay $0x1  }
0x8a: {  	s1 =	srdreg.scid  }
0x8b: {  	s0 =	sand.u32 $0x1, s1  }
0x8c: {  	s17 =	sshll.u32 s0, $0xA;
	s2 =	sadd.s32 s3, s2  }
0x8d: {  	s2 =	sadd.s32 s2, s17  }
0x8e: {  	[smem:$0x3FBF] =	sst s2  }
0x8f: {  	_ = 	snop  }
0x90: {  	s2 =	sld [smem:$0x3FD0];
	(tm) =	ssettm $0x1  }
0x91: {  	s18 =	sld [smem:$0x3FFB];
	_ =	sdelay $0x3  }
0x92: {  	_ =	strace s18  }
0x93: {  	s3 =	sld [smem:$0x3FFC];
	_ =	sdelay $0x3  }
0x94: {  	_ =	strace s3  }
0x95: {  	s3 =	sld [smem:$0x3FFD];
	_ =	sdelay $0x3  }
0x96: {  	_ =	strace s3  }
0x97: {  	_ =	strace $0x8FFFFFFF  }
0x98: {  	s19 =	sld [smem:$0x3FDB];
	_ =	sdelay $0x1  }
0x99: {  	s4 =	simm.s32 $_scs_section_size  }
0x9a: {  	s5 =	simm.s32 $_size__tile_overlayer_lowered;
	s6 =	simm.s32 $_tile_overlayer_lowered  }
0x9b: {  	s22 =	simm.s32 $0x1BFF;
	s21 =	sshll.u32 s6, $0x1;
	s3 =	sadd.s32 s4, s19  }
0x9c: {  	s7 =	simm.s32 $0x0;
	s20 =	sshll.u32 s5, $0x1;
	s5 =	sadd.s32 s21, s3  }
0x9d: {  	[timem:s7], [sflag:s22] =	dma.local [hbm:s5], s20  }
0x9e: {  	_ =	swait.ge [sflag:s22], s20  }
0x9f: {  	s4 =	ssub.s32 $0x0, s20;
	[sflag:s22] =	ssyncset.done $0x0  }
0xa0: {  	[sflag:s22] =	ssyncadd.s32 s4;
	_ =	sdelay $0x1  }
0xa1: {  	s23 =	simm.s32 $0x1B8B  }
0xa2: {  	_ =	swait.ge [sflag:s23], $0x1  }
0xa3: {  	[sflag:s23] =	ssyncset.done $0x0  }
0xa4: {  	s25 =	simm.s32 $0x1B8E;
	s24 =	sld [smem:$0x3FFE];
	[sflag:s23] =	ssyncadd.s32 $0xFFFFFFFF  }
0xa5: {  	s26 =	simm.s32 $execute0_lowered;
	[smem:$0x3FD2] =	sst s25  }
0xa6: {  	s5 =	sshll.u32 s26, $0x1;
	_ =	strace $0x80000049;
	[dreg:$0x1] =	wrdreg $0xFFFFFFFF  }
0xa7: {  	s28 =	simm.s32 $_size_execute0_lowered;
	s3 =	sadd.s32 s3, s5;
	[dreg:$0x0] =	wrdreg $0x0  }
0xa8: {  	s5 =	sshll.u32 s28, $0x1;
	[dreg:$0x2] =	wrdreg s3  }
0xa9: {  	[dreg:$0x3] =	wrdreg s5  }
0xaa: {  	[dreg:$0x4] =	wrdreg $0xC0  }
0xab: {  	_ =	task [dreg:s7], $0x5FFFF  }
0xac: {  	[dreg:$0x1] =	wrdreg $0xFFFFFFFF  }
0xad: {  	[dreg:$0x0] =	wrdreg $0x60  }
0xae: {  	[dreg:$0x2] =	wrdreg s24  }
0xaf: {  	[dreg:$0x3] =	wrdreg s2  }
0xb0: {  	[dreg:$0x4] =	wrdreg $0x0  }
0xb1: {  	[dreg:$0x5] =	wrdreg $0x9  }
0xb2: {  	_ =	task.clear_ibuf [dreg:s7], $0x6FFFF;
	_ =	strace $0x90000049  }
0xb3: {  	s29 =	simm.s32 $0x9;
	_ =	strace $0x8000004B  }
0xb4: {  	_ =	swait.ge [sflag:s29], $0x1  }
0xb5: {  	[sflag:s29] =	ssyncadd.s32 $0xFFFFFFFF  }
0xb6: {  	_ =	strace $0x9000004B  }
0xb7: {  	_ =	sfence  }
0xb8: {  	s30 =	sld [smem:$0x0];
	_ =	sdelay $0x2  }
0xb9: {  	s31 =	sshll.u32 s1, $0xD;
	s1 =	sshrl.u32 s1, $0x2  }
0xba: {  	s3 =	sand.u32 $0x4000, s31;
	s1 =	sadd.s32 s1, s30  }
0xbb: {  	s0 =	sor.u32 s3, s0;
	s1 =	sshll.u32 s1, $0x11  }
0xbc: {  	s0 =	sor.u32 s1, s0  }
0xbd: {  	s0 =	sadd.s32 $0x8F2B, s0  }
0xbe: {  	[sflag:s0] =	ssyncadd.remote.s32 $0x1  }
0xbf: {  	_ =	sfence.sel $0xFFFF  }
0xc0: {  	[dreg:$0x0] =	wrdreg $0xFFFFFFFF;
	(pc) =	sbr.abs _section_cstart, $3  }
0xc1: {  	[dreg:$0x1] =	wrdreg $0xFFFFFFFF  }
0xc2: {  	_ =	task.clear_ibuf [dreg:s7], $0x2FFFF;
	_ =	strace $0x9FFFFFFF  }
0xc3: {  	(tm) =	ssettm $0x7FFFFFFF  }
tec
execute0_lowered:
.L_overlay_start_1:
0x0: {  	(tag) =	ssettag $0x1  }
0x1: {  	s5 =	rddreg [dreg:$0x0]  }
0x2: {  	s13 =	rddreg [dreg:$0x1]  }
0x3: {  	s2 =	rddreg [dreg:$0x2];
	s3 =	simm.s32 $0x0;
	s1 =	stileid.u32  }
0x4: {  	s4 =	srdreg.scid;
	s18 =	simm.s32 $0x16100;
	s19 =	simm.s32 $0x2  }
0x5: {  	s20 =	simm.s32 $0x13900;
	s21 =	simm.s32 $0x80;
	s22 =	simm.s32 $0x18900  }
0x6: {  	s23 =	simm.s32 $0x1;
	s28 =	simm.s32 $0x0;
	s6 =	smul.u32 $0x500, s1  }
0x7: {  	[smem:$0x7FF] =	sst s3;
	s11 =	sand.u32 $0x1, s4;
	s26 =	smul.u32 $0x278, s1  }
0x8: {  	s4 =	sadd.s32 $0xB200, s5;
	p0 =	seq.s32 s1, $0xF;
	s29 =	smul.u32 $0x4F000, s1  }
0x9: {  	p4 =	sne.s32 s1, $0xF;
	s12 =	smul.u32 $0x4F00, s1;
	s24 =	sadd.s32 $0x4A100, s13  }
0xa: {  	_ =	strace $0x8000004A;
	s7 =	ssub.s32 $0x2, s11;
	s8 =	smul.u32 $0xAFC800, s11  }
0xb: {  	s25 =	smul.u32 $0x15F90, s11;
	p2 =	seq.s32 s11, $0x0;
	s16 =	sshll.u32 @!p0 s1, $0x6  }
0xc: {  	s9 =	sshrl.u32 s7, $0x1;
	s10 =	sadd.s32 s6, s5;
	s5 =	sadd.s32 $0x128400, s2  }
0xd: {  	p1 =	por !p2, !p4;
	p3 =	por !p2, !p0;
	p2 =	seq.s32 s11, $0x1  }
0xe: {  	s11 =	sadd.s32 s13, s12;
	s13 =	sadd.s32 $0x4A180, s13;
	s16 =	sor.u32 @!p0 $0x1C02, s16  }
0xf: {  	s14 =	ssub.s32 s7, s9;
	s8 =	sshrl.u32 s8, $0x3;
	s6 =	sadd.s32 s26, s25  }
0x10: {  	s7 =	sshrl.u32 s29, $0x2;
	s9 =	sadd.s32 $0x1200, s10;
	s10 =	sadd.s32 $0x6200, s10  }
0x11: {  	p1 =	por !p1, !p1;
	p3 =	por !p3, !p3;
	p4 =	por !p4, !p2  }
0x12: {  	s12 =	sadd.s32 $0x80, s11;
	s15 =	sshrl.u32 @p0 s5, $0x3;
	v0 =	vmov s25;
	s25 =	simm.s32 $0x100  }
0x13: {  	s26 =	simm.s32 $0x1FC2;
	s8 =	sadd.s32 s4, s8;
	s30 =	sshll.u32 s6, $0x4  }
0x14: {  	s7 =	sadd.s32 s7, s2;
	p4 =	por !p4, !p4;
	s14 =	smax.u32 s14, $0x1  }
0x15: {  	s13 =	smov.u32 @p3 s24;
	s6 =	sadd.s32 $0x15D880, s8;
	s31 =	sadd.s32 s4, s30  }
0x16: {  	s17 =	sshrl.u32 @!p0 s7, $0x3;
	p4 =	por !p4, p3;
	s8 =	sadd.s32 $0x138800, s31  }
.LBB2_1:
0x17: {  	s29 =	simm.s32 @p0 $0x1FC2  }
0x18: {  	[spmem:s15], [sflag:s29] =	dma.local @p0 [hbm:s6], $0x2080  }
0x19: {  	s29 =	simm.s32 @p0 $0x2  }
0x1a: {  	_ =	swait.ge @p0 [sflag:s29], $0x2080  }
0x1b: {  	[sflag:s29] =	ssyncset.done @p0 $0x0  }
0x1c: {  	[sflag:s29] =	ssyncadd.s32 @p0 $0xFFFFDF80;
	s29 =	simm.s32 @!p0 $0x2  }
0x1d: {  	[spmem:s17], [sflag:s16] =	dma.local @!p0 [hbm:s8], $0x2780  }
0x1e: {  	_ =	swait.ge @!p0 [sflag:s29], $0x2780  }
0x1f: {  	[sflag:s29] =	ssyncset.done @!p0 $0x0  }
0x20: {  	[sflag:s29] =	ssyncadd.s32 @!p0 $0xFFFFD880  }
0x21: {  	[tilespmem:s18], [sflag:$0x2] =	stream.linear.gather [hbm4b:s9+s3], $0x2780, $0x38;
	[tilespmem:$0x1C900] =	vst v63  }
0x22: {  	_ =	swait.ge [sflag:s19], $0x2780  }
0x23: {  	[sflag:s19] =	ssyncset.done $0x0  }
0x24: {  	[sflag:s19] =	ssyncadd.s32 $0xFFFFD880  }
0x25: {  	[tilespmem:s20], [sflag:$0x2] =	stream.linear.gather [hbm4b:s10+s3], $0x2780, $0x38;
	[tilespmem:$0x1C900] =	vst v63  }
0x26: {  	_ =	swait.ge [sflag:s19], $0x2780  }
0x27: {  	[sflag:s19] =	ssyncset.done $0x0  }
0x28: {  	s29 =	simm.s32 $0x0;
	[sflag:s19] =	ssyncadd.s32 $0xFFFFD880  }
0x29: {  	v3 =	vld [tilespmem:s29+$0x16100]  }
0x2a: {  	v5 =	vld [tilespmem:s29+$0x16110]  }
0x2b: {  	v4 =	vld [tilespmem:s29+$0x16120]  }
0x2c: {  	v2 =	vld [tilespmem:s29+$0x16130]  }
0x2d: {  	v1 =	vld [tilespmem:s29+$0x16140]  }
0x2e: {  	v6 =	vadd.s32 v0, v3;
	v3 =	vld [tilespmem:s29+$0x16150]  }
0x2f: {  	s30 =	simm.s32 $0x200;
	[tilespmem:s29+$0x16100] =	vst v6;
	v6 =	vadd.s32 v0, v5;
	v5 =	vld [tilespmem:s29+$0x16160]  }
.LBB2_2:
0x30: {  	s31 =	sshra.s32 s30, $0x2;
	p5 =	sne.s32 s30, $0x9C00;
	[tilespmem:s29+$0x16110] =	vst v6;
	v4 =	vadd.s32 v0, v4;
	v6 =	vld [tilespmem:s29+$0x16170]  }
0x31: {  	v7 =	vld [tilespmem:s31+$0x16100];
	[tilespmem:s29+$0x16120] =	vst v4;
	v2 =	vadd.s32 v0, v2  }
0x32: {  	v8 =	vld [tilespmem:s31+$0x16110];
	[tilespmem:s29+$0x16130] =	vst v2;
	v1 =	vadd.s32 v0, v1  }
.Ltmp0:
0x33: {  	v4 =	vld [tilespmem:s31+$0x16120];
	[tilespmem:s29+$0x16140] =	vst v1;
	v1 =	vadd.s32 v0, v3;
	(pc) =	sbr.rel @p5 .LBB2_2-.Ltmp0, $4  }
0x34: {  	v2 =	vld [tilespmem:s31+$0x16130];
	[tilespmem:s29+$0x16150] =	vst v1;
	v3 =	vadd.s32 v0, v5  }
0x35: {  	v1 =	vld [tilespmem:s31+$0x16140];
	[tilespmem:s29+$0x16160] =	vst v3;
	v5 =	vadd.s32 v0, v6  }
0x36: {  	v6 =	vadd.s32 v0, v7;
	v3 =	vld [tilespmem:s31+$0x16150];
	[tilespmem:s29+$0x16170] =	vst v5;
	s29 =	smov.u32 s31  }
0x37: {  	s30 =	sadd.s32 $0x200, s30;
	[tilespmem:s29+$0x16100] =	vst v6;
	v6 =	vadd.s32 v0, v8;
	v5 =	vld [tilespmem:s29+$0x16160]  }
0x38: {  	[tilespmem:s29+$0x16110] =	vst v6;
	v4 =	vadd.s32 v0, v4;
	v63 =	vld [tilespmem:s29+$0x16170]  }
0x39: {  	[tilespmem:s29+$0x16120] =	vst v4;
	v2 =	vadd.s32 v0, v2  }
0x3a: {  	[tilespmem:s29+$0x16130] =	vst v2;
	v1 =	vadd.s32 v0, v1  }
0x3b: {  	[tilespmem:s29+$0x16140] =	vst v1;
	v1 =	vadd.s32 v0, v3  }
0x3c: {  	[tilespmem:s29+$0x16150] =	vst v1;
	v1 =	vadd.s32 v0, v5  }
0x3d: {  	[tilespmem:s29+$0x16160] =	vst v1;
	v1 =	vadd.s32 v0, v63  }
0x3e: {  	[tilespmem:s29+$0x16170] =	vst v1  }
0x3f: {  	s29 =	simm.s32 $0x16100;
	[bflag:$0x0] =	sbarrier.arrive $0xFFFF  }
0x40: {  	[tilespmem:s22], [sflag:$0x1] =	stream.indirect.gather [hbm4b:s4+s21], $0x80, s29, s21, $0xb8;
	[tilespmem:$0x1C900] =	vst v63  }
0x41: {  	_ =	swait.ge [sflag:s23], $0x4000  }
0x42: {  	[sflag:s23] =	ssyncset.done $0x0  }
0x43: {  	s29 =	simm.s32 $0x13900;
	[sflag:s23] =	ssyncadd.s32 $0xFFFFC000  }
0x44: {  	[spmem:s2] =	stream.indirect.scatter.add.f32 [tilespmem:s22], [sflag:$0x2], $0x80, s29, s21, $0xb8;
	[tilespmem:$0x1C900] =	vst v63  }
0x45: {  	_ =	swait.ge [sflag:s19], $0x4000  }
0x46: {  	s30 =	simm.s32 $0x400;
	s29 =	simm.s32 $0x80;
	[sflag:s19] =	ssyncset.done $0x0  }
.LBB2_4:
0x47: {  	s31 =	sadd.s32 $0x16100, s29  }
0x48: {  	[sflag:s19] =	ssyncadd.s32 $0xFFFFC000;
	s0 =	smov.u32 s30;
	s24 =	sadd.s32 $0x200, s30  }
0x49: {  	[tilespmem:s22], [sflag:$0x1] =	stream.indirect.gather [hbm4b:s4+s21], $0x80, s31, s21, $0xb8;
	[tilespmem:$0x1C900] =	vst v63  }
0x4a: {  	p5 =	sne.s32 s30, $0x9C00;
	_ =	swait.ge [sflag:s23], $0x4000  }
.Ltmp1:
0x4b: {  	[sflag:s23] =	ssyncset.done $0x0;
	(pc) =	sbr.rel @p5 .LBB2_4-.Ltmp1, $4  }
0x4c: {  	s29 =	sadd.s32 $0x13900, s29;
	[sflag:s23] =	ssyncadd.s32 $0xFFFFC000  }
0x4d: {  	[spmem:s2] =	stream.indirect.scatter.add.f32 [tilespmem:s22], [sflag:$0x2], $0x80, s29, s21, $0xb8;
	[tilespmem:$0x1C900] =	vst v63  }
0x4e: {  	_ =	swait.ge [sflag:s19], $0x4000  }
0x4f: {  	s30 =	smov.u32 s24;
	s29 =	sshra.s32 s0, $0x2;
	[sflag:s19] =	ssyncset.done $0x0  }
0x50: {  	s0 =	sadd.s32 $0x16100, s29;
	[sflag:s19] =	ssyncadd.s32 $0xFFFFC000  }
0x51: {  	[tilespmem:s22], [sflag:$0x1] =	stream.indirect.gather [hbm4b:s4+s21], $0x80, s0, s21, $0xb8;
	[tilespmem:$0x1C900] =	vst v63  }
0x52: {  	_ =	swait.ge [sflag:s23], $0x4000  }
0x53: {  	[sflag:s23] =	ssyncset.done $0x0  }
0x54: {  	s31 =	sadd.s32 $0x13900, s29;
	[sflag:s23] =	ssyncadd.s32 $0xFFFFC000  }
0x55: {  	[spmem:s2] =	stream.indirect.scatter.add.f32 [tilespmem:s22], [sflag:$0x2], $0x80, s31, s21, $0xb8;
	[tilespmem:$0x1C900] =	vst v63  }
0x56: {  	s24 =	sshrl.u32 @p1 s7, $0x3;
	s29 =	simm.s32 @p1 $0x8;
	_ =	swait.ge [sflag:s19], $0x4000  }
0x57: {  	s30 =	simm.s32 @p1 $0x100;
	p5 =	por @!p4 $0x1, $0x1;
	[sflag:s19] =	ssyncset.done $0x0  }
0x58: {  	p6 =	por p2, p2;
	s0 =	sshll.u32 @p1 s1, $0x6;
	[sflag:s19] =	ssyncadd.s32 $0xFFFFC000  }
0x59: {  	s0 =	sor.u32 @p1 $0x1C02, s0;
	s31 =	simm.s32 @p1 $0x80;
	[bflag:$0x0] =	sbarrier.arrive $0xFFFF  }
0x5a: {  	[hbm:s11@s30], [sflag:s0] =	dma.strided @p1 [spmem:s24@s31], $0x2780, s29, $0x10   }
0x5b: {  	p6 =	por @!p4 p5, p5;
	s0 =	simm.s32 @p1 $0x2  }
0x5c: {  	s24 =	sshll.u32 @!p4 s1, $0x6;
	s29 =	simm.s32 @!p4 $0x8;
	_ =	swait.ge @p1 [sflag:s0], $0x2780  }
0x5d: {  	s30 =	simm.s32 @!p4 $0x100;
	s31 =	simm.s32 @!p4 $0x80;
	[sflag:s0] =	ssyncset.done @p1 $0x0  }
0x5e: {  	[sflag:s0] =	ssyncadd.s32 @p1 $0xFFFFD880;
	s0 =	sor.u32 @!p4 $0x1C02, s24;
	s24 =	sshrl.u32 @!p4 s7, $0x3  }
0x5f: {  	[hbm:s12@s30], [sflag:s0] =	dma.strided @!p4 [spmem:s24@s31], $0x2780, s29, $0x10   }
0x60: {  	p5 =	por @!p3 !p6, !p0;
	s0 =	simm.s32 @!p4 $0x2  }
0x61: {  	p5 =	por @!p3 !p5, !p5;
	_ =	swait.ge @!p4 [sflag:s0], $0x2780  }
0x62: {  	p5 =	por p3, p5;
	[sflag:s0] =	ssyncset.done @!p4 $0x0  }
0x63: {  	s24 =	simm.s32 @p5 $0x8;
	[sflag:s0] =	ssyncadd.s32 @!p4 $0xFFFFD880;
	s0 =	sshrl.u32 @p5 s5, $0x3  }
0x64: {  	[hbm:s13@s25], [sflag:s26] =	dma.strided @p5 [spmem:s0@s21], $0x2080, s24, $0x10   }
0x65: {  	_ =	swait.ge @p5 [sflag:s19], $0x2080  }
0x66: {  	s28 =	sadd.s32 $0x1, s28;
	[sflag:s19] =	ssyncset.done @p5 $0x0  }
0x67: {  	[sflag:s19] =	ssyncadd.s32 @p5 $0xFFFFDF80;
	p5 =	sne.s32 s28, s14  }
.Ltmp2:
0x68: {  	_ = 	snop;
	(pc) =	sbr.rel @p5 .LBB2_1-.Ltmp2, $1  }
0x69: {  	_ =	sdelay $0x3  }
0x6a: {  	_ =	sfence.sel $0x180000  }
0x6b: {  	[bflag:$0x0] =	sbarrier.arrive $0xFFFF  }
0x6c: {  	_ =	strace $0x9000004A  }
0x6d: {  	[bflag:$0x2] =	sbarrier.arrive $0xFFFF  }
0x6e: {  	p0 =	sne.s32 s1, $0x0;
	s0 =	rddreg [dreg:$0x3]  }
0x6f: {  	s0 =	sadd.s32 @!p0 $0x100000, s0  }
0x70: {  	[sflag:s0] =	ssyncadd.tile.s32 @!p0 $0x1;
	_ =	shalt  }
.Lfunc_end2:
_tile_overlayer_lowered:
.L_overlay_start_2:
0x71: {  	(tag) =	ssettag $0x2  }
0x72: {  	s0 =	rddreg [dreg:$0x0];
	s2 =	stileid.u32  }
0x73: {  	s1 =	rddreg [dreg:$0x1];
	p0 =	sne.s32 s2, $0x0  }
0x74: {  	s3 =	rddreg [dreg:$0x2];
	[bflag:$0x3] =	sbarrier.arrive $0xFFFF;
	s2 =	simm.s32 @!p0 $0x1C02  }
0x75: {  	[timem:s3], [sflag:s2] =	dma.local @!p0 [hbm:s0], s1  }
0x76: {  	s0 =	simm.s32 @!p0 $0x2  }
0x77: {  	_ =	swait.ge @!p0 [sflag:s0], s1  }
0x78: {  	s1 =	ssub.s32 @!p0 $0x0, s1;
	[sflag:s0] =	ssyncset.done @!p0 $0x0  }
0x79: {  	[sflag:s0] =	ssyncadd.s32 @!p0 s1  }
0x7a: {  	[bflag:$0x3] =	sbarrier.arrive $0xFFFF  }
0x7b: {  	_ =	shalt  }

</sc_bundles>
